<compile_context>
chip_gen: v7x
topology: tpu7x:2x2x1
jax: 0.10.2.dev20260603
libtpu: 0.0.44.dev20260713+nightly
codegen_flags: <defaults>
</compile_context>

<pallas_src>
import functools

import jax
import jax.numpy as jnp
from jax import lax
from jax.experimental import pallas as pl
from jax.experimental.pallas import tpu as pltpu
from jax.experimental.pallas import tpu_sc as plsc

_INFO = plsc.get_sparse_core_info()
_NC = _INFO.num_cores
_NS = _INFO.num_subcores
_NW = _NC * _NS


@functools.cache
def _make_transpose(v_pad, d, bc):
    nblk = v_pad // (2 * bc)

    def body(a_ref, out_ref):
        x = a_ref[...]
        out_ref[...] = jnp.concatenate(
            [x[:, :bc].T, x[:, bc:].T], axis=1)

    return pl.pallas_call(
        body,
        grid=(nblk,),
        in_specs=[pl.BlockSpec((d, 2 * bc), lambda i: (0, i))],
        out_specs=pl.BlockSpec((bc, 2 * d), lambda i: (i, 0)),
        out_shape=jax.ShapeDtypeStruct((v_pad // 2, 2 * d), jnp.float32),
    )


@functools.cache
def _make_gather(n_rows: int, d: int, chunk: int):
    per_w = n_rows // _NW
    nchunk = per_w // chunk
    mesh = plsc.VectorSubcoreMesh(core_axis_name="c", subcore_axis_name="s")

    @functools.partial(
        pl.kernel,
        mesh=mesh,
        out_type=jax.ShapeDtypeStruct((n_rows, d), jnp.float32),
        compiler_params=pltpu.CompilerParams(use_tc_tiling_on_sc=False),
        scratch_types=(
            [pltpu.VMEM((chunk,), jnp.int32) for _ in range(nchunk)]
            + [
                pltpu.VMEM((chunk, d), jnp.float32),
                pltpu.VMEM((chunk, d), jnp.float32),
                pltpu.SemaphoreType.DMA,
                pltpu.SemaphoreType.DMA,
                pltpu.SemaphoreType.DMA,
                pltpu.SemaphoreType.DMA,
            ]
        ),
    )
    def gather(table_hbm, idx_hbm, out_hbm, *scratch):
        idx_vs = scratch[:nchunk]
        buf0, buf1, g0, g1, o0, o1 = scratch[nchunk:]
        wid = lax.axis_index("s") * _NC + lax.axis_index("c")
        base = wid * per_w
        for i in range(nchunk):
            pltpu.sync_copy(idx_hbm.at[wid, i], idx_vs[i])
        bufs = (buf0, buf1)
        gsems = (g0, g1)
        osems = (o0, o1)
        gathers = [None] * nchunk
        outs = [None] * nchunk
        gathers[0] = pltpu.async_copy(table_hbm.at[idx_vs[0]], bufs[0],
                                      gsems[0])
        for i in range(nchunk):
            cur = i % 2
            nxt = (i + 1) % 2
            if i + 1 < nchunk:
                if i >= 1:
                    outs[i - 1].wait()
                gathers[i + 1] = pltpu.async_copy(
                    table_hbm.at[idx_vs[i + 1]], bufs[nxt], gsems[nxt])
            gathers[i].wait()
            outs[i] = pltpu.async_copy(
                bufs[cur], out_hbm.at[pl.ds(base + i * chunk, chunk)],
                osems[cur])
        if nchunk >= 2:
            outs[nchunk - 2].wait()
        outs[nchunk - 1].wait()

    return gather


def kernel(token_ids, std_embed, q6_basis, hamming_scale):
    b, t = token_ids.shape
    v, d = std_embed.shape
    n_rows = b * t
    chunk = 640
    per_w = n_rows // _NW
    bc = 2048
    v_pad = -(-v // (2 * bc)) * (2 * bc)
    table128 = _make_transpose(v_pad, d, bc)(std_embed.T)
    table = table128.reshape(v_pad, d)
    flat = token_ids.reshape(-1).astype(jnp.int32)
    sh = bc.bit_length() - 1
    blk = flat >> (sh + 1)
    j = flat & (2 * bc - 1)
    remapped = ((blk * bc + (j & (bc - 1))) << 1) | (j >> sh)
    idx = remapped.reshape(_NW, per_w // chunk, chunk)
    out = _make_gather(n_rows, d, chunk)(table, idx)
    return (out.reshape(b, t, d), None)

# --- scband reference (transcript-rebuilt; emitter-appended) ---
"""Pipeline reference for scband-glyph-aware-embedding-30313879175329 (READ-ONLY COPY).

The authoritative reference and input builder live on the scoring server;
editing this copy changes nothing except your own understanding.
"""

import jax, jax.numpy as jnp
import numpy as np

VOCAB = 1000000
D_MODEL = 64
B = 4096
T = 50

def setup_inputs(seed: int = 0) -> dict:
    key = jax.random.key(seed)
    k1, k2, k3 = jax.random.split(key, 3)
    token_ids = jax.random.randint(k1, (B, T), 0, VOCAB)
    std_embed = jax.random.normal(k2, (VOCAB, D_MODEL), dtype=jnp.float32)
    q6_basis = jax.random.normal(k3, (6, D_MODEL), dtype=jnp.float32) / jnp.sqrt(6.0)
    hamming_scale = jnp.array(0.1, dtype=jnp.float32)
    return {"token_ids": token_ids, "std_embed": std_embed, "q6_basis": q6_basis, "hamming_scale": hamming_scale}

def reference(token_ids, std_embed, q6_basis, hamming_scale):
    # Faithful translation of GlyphAwareEmbedding.forward with text=None:
    # std = self.std_embed(token_ids); hamming_bias = None
    std = jnp.take(std_embed, token_ids, axis=0)
    hamming_bias = None
    return (std, hamming_bias)

if __name__ == "__main__":
    import jax
    _d = setup_inputs()
    print(jax.jit(kernel)(*tuple(_d.values())))

</pallas_src>

<mosaic_0001>
#map = affine_map<(d0, d1) -> (0, 0)>
#map1 = affine_map<(d0, d1) -> (0, 0, 0)>
module attributes {stable_mosaic.version = 14 : i64} {
  func.func @gather(%arg0: i32, %arg1: i32, %arg2: memref<1003520x64xf32, #tpu.memory_space<hbm>>, %arg3: memref<32x10x640xi32, #tpu.memory_space<hbm>>, %arg4: memref<204800x64xf32, #tpu.memory_space<hbm>>, %arg5: memref<640xi32, #tpu.memory_space<vmem>>, %arg6: memref<640xi32, #tpu.memory_space<vmem>>, %arg7: memref<640xi32, #tpu.memory_space<vmem>>, %arg8: memref<640xi32, #tpu.memory_space<vmem>>, %arg9: memref<640xi32, #tpu.memory_space<vmem>>, %arg10: memref<640xi32, #tpu.memory_space<vmem>>, %arg11: memref<640xi32, #tpu.memory_space<vmem>>, %arg12: memref<640xi32, #tpu.memory_space<vmem>>, %arg13: memref<640xi32, #tpu.memory_space<vmem>>, %arg14: memref<640xi32, #tpu.memory_space<vmem>>, %arg15: memref<640x64xf32, #tpu.memory_space<vmem>>, %arg16: memref<640x64xf32, #tpu.memory_space<vmem>>, %arg17: memref<!tpu.dma_semaphore, #tpu.memory_space<semaphore_mem>>, %arg18: memref<!tpu.dma_semaphore, #tpu.memory_space<semaphore_mem>>, %arg19: memref<!tpu.dma_semaphore, #tpu.memory_space<semaphore_mem>>, %arg20: memref<!tpu.dma_semaphore, #tpu.memory_space<semaphore_mem>>) attributes {dimension_semantics = [#tpu.dimension_semantics<core_parallel>, #tpu.dimension_semantics<subcore_parallel>], iteration_bounds = array<i64: 2, 16>, scalar_prefetch = 0 : i64, scratch_operands = 16 : i64, tpu.core_type = #tpu.core_type<sc_vector_subcore>, window_params = [{transform_indices = #map}, {transform_indices = #map1}, {transform_indices = #map}]} {
    %mul3A = arith.constant 2 : i32
    %mul3A_0 = arith.muli %arg1, %mul3A : i32
    %add3A = arith.addi %mul3A_0, %arg0 : i32
    %mul3A_1 = arith.constant 6400 : i32
    %mul3A_2 = arith.muli %add3A, %mul3A_1 : i32
    %run_scoped3A = arith.constant 0 : i32
    "tpu.region"() ({
      %run_scoped3A_170 = tpu.sem_alloc : memref<!tpu.dma_semaphore, #tpu.memory_space<semaphore_mem>>
      %dma_start3A_171 = arith.constant 0 : i32
      %dma_start3A_172 = tpu.memref_slice %arg3[%add3A, %run_scoped3A, %dma_start3A_171] : memref<32x10x640xi32, #tpu.memory_space<hbm>> -> memref<1x1x640xi32, #tpu.memory_space<hbm>>
      %dma_start3A_173 = tpu.memref_squeeze %dma_start3A_172 : memref<1x1x640xi32, #tpu.memory_space<hbm>> -> memref<640xi32, #tpu.memory_space<hbm>>
      %dma_start3A_174 = arith.constant 0 : i32
      %dma_start3A_175 = tpu.memref_slice %arg3[%add3A, %run_scoped3A, %dma_start3A_174] : memref<32x10x640xi32, #tpu.memory_space<hbm>> -> memref<1x1x640xi32, #tpu.memory_space<hbm>>
      %dma_start3A_176 = tpu.memref_squeeze %dma_start3A_175 : memref<1x1x640xi32, #tpu.memory_space<hbm>> -> memref<640xi32, #tpu.memory_space<hbm>>
      tpu.enqueue_dma source(%dma_start3A_176 : memref<640xi32, #tpu.memory_space<hbm>>) target(%arg5 : memref<640xi32, #tpu.memory_space<vmem>>) target_semaphore(%run_scoped3A_170 : memref<!tpu.dma_semaphore, #tpu.memory_space<semaphore_mem>>)
      %dma_wait3A_177 = arith.constant 0 : i32
      %dma_wait3A_178 = tpu.memref_slice %arg3[%add3A, %run_scoped3A, %dma_wait3A_177] : memref<32x10x640xi32, #tpu.memory_space<hbm>> -> memref<1x1x640xi32, #tpu.memory_space<hbm>>
      %dma_wait3A_179 = tpu.memref_squeeze %dma_wait3A_178 : memref<1x1x640xi32, #tpu.memory_space<hbm>> -> memref<640xi32, #tpu.memory_space<hbm>>
      %dma_wait3A_180 = arith.constant 0 : i32
      %dma_wait3A_181 = tpu.memref_slice %arg3[%add3A, %run_scoped3A, %dma_wait3A_180] : memref<32x10x640xi32, #tpu.memory_space<hbm>> -> memref<1x1x640xi32, #tpu.memory_space<hbm>>
      %dma_wait3A_182 = tpu.memref_squeeze %dma_wait3A_181 : memref<1x1x640xi32, #tpu.memory_space<hbm>> -> memref<640xi32, #tpu.memory_space<hbm>>
      tpu.wait_dma2 semaphore(%run_scoped3A_170 : memref<!tpu.dma_semaphore, #tpu.memory_space<semaphore_mem>>) src(%dma_wait3A_182 : memref<640xi32, #tpu.memory_space<hbm>>) dst(%arg5 : memref<640xi32, #tpu.memory_space<vmem>>)
      tpu.yield
    }) : () -> ()
    %run_scoped3A_3 = arith.constant 1 : i32
    "tpu.region"() ({
      %run_scoped3A_170 = tpu.sem_alloc : memref<!tpu.dma_semaphore, #tpu.memory_space<semaphore_mem>>
      %dma_start3A_171 = arith.constant 0 : i32
      %dma_start3A_172 = tpu.memref_slice %arg3[%add3A, %run_scoped3A_3, %dma_start3A_171] : memref<32x10x640xi32, #tpu.memory_space<hbm>> -> memref<1x1x640xi32, #tpu.memory_space<hbm>>
      %dma_start3A_173 = tpu.memref_squeeze %dma_start3A_172 : memref<1x1x640xi32, #tpu.memory_space<hbm>> -> memref<640xi32, #tpu.memory_space<hbm>>
      %dma_start3A_174 = arith.constant 0 : i32
      %dma_start3A_175 = tpu.memref_slice %arg3[%add3A, %run_scoped3A_3, %dma_start3A_174] : memref<32x10x640xi32, #tpu.memory_space<hbm>> -> memref<1x1x640xi32, #tpu.memory_space<hbm>>
      %dma_start3A_176 = tpu.memref_squeeze %dma_start3A_175 : memref<1x1x640xi32, #tpu.memory_space<hbm>> -> memref<640xi32, #tpu.memory_space<hbm>>
      tpu.enqueue_dma source(%dma_start3A_176 : memref<640xi32, #tpu.memory_space<hbm>>) target(%arg6 : memref<640xi32, #tpu.memory_space<vmem>>) target_semaphore(%run_scoped3A_170 : memref<!tpu.dma_semaphore, #tpu.memory_space<semaphore_mem>>)
      %dma_wait3A_177 = arith.constant 0 : i32
      %dma_wait3A_178 = tpu.memref_slice %arg3[%add3A, %run_scoped3A_3, %dma_wait3A_177] : memref<32x10x640xi32, #tpu.memory_space<hbm>> -> memref<1x1x640xi32, #tpu.memory_space<hbm>>
      %dma_wait3A_179 = tpu.memref_squeeze %dma_wait3A_178 : memref<1x1x640xi32, #tpu.memory_space<hbm>> -> memref<640xi32, #tpu.memory_space<hbm>>
      %dma_wait3A_180 = arith.constant 0 : i32
      %dma_wait3A_181 = tpu.memref_slice %arg3[%add3A, %run_scoped3A_3, %dma_wait3A_180] : memref<32x10x640xi32, #tpu.memory_space<hbm>> -> memref<1x1x640xi32, #tpu.memory_space<hbm>>
      %dma_wait3A_182 = tpu.memref_squeeze %dma_wait3A_181 : memref<1x1x640xi32, #tpu.memory_space<hbm>> -> memref<640xi32, #tpu.memory_space<hbm>>
      tpu.wait_dma2 semaphore(%run_scoped3A_170 : memref<!tpu.dma_semaphore, #tpu.memory_space<semaphore_mem>>) src(%dma_wait3A_182 : memref<640xi32, #tpu.memory_space<hbm>>) dst(%arg6 : memref<640xi32, #tpu.memory_space<vmem>>)
      tpu.yield
    }) : () -> ()
    %run_scoped3A_4 = arith.constant 2 : i32
    "tpu.region"() ({
      %run_scoped3A_170 = tpu.sem_alloc : memref<!tpu.dma_semaphore, #tpu.memory_space<semaphore_mem>>
      %dma_start3A_171 = arith.constant 0 : i32
      %dma_start3A_172 = tpu.memref_slice %arg3[%add3A, %run_scoped3A_4, %dma_start3A_171] : memref<32x10x640xi32, #tpu.memory_space<hbm>> -> memref<1x1x640xi32, #tpu.memory_space<hbm>>
      %dma_start3A_173 = tpu.memref_squeeze %dma_start3A_172 : memref<1x1x640xi32, #tpu.memory_space<hbm>> -> memref<640xi32, #tpu.memory_space<hbm>>
      %dma_start3A_174 = arith.constant 0 : i32
      %dma_start3A_175 = tpu.memref_slice %arg3[%add3A, %run_scoped3A_4, %dma_start3A_174] : memref<32x10x640xi32, #tpu.memory_space<hbm>> -> memref<1x1x640xi32, #tpu.memory_space<hbm>>
      %dma_start3A_176 = tpu.memref_squeeze %dma_start3A_175 : memref<1x1x640xi32, #tpu.memory_space<hbm>> -> memref<640xi32, #tpu.memory_space<hbm>>
      tpu.enqueue_dma source(%dma_start3A_176 : memref<640xi32, #tpu.memory_space<hbm>>) target(%arg7 : memref<640xi32, #tpu.memory_space<vmem>>) target_semaphore(%run_scoped3A_170 : memref<!tpu.dma_semaphore, #tpu.memory_space<semaphore_mem>>)
      %dma_wait3A_177 = arith.constant 0 : i32
      %dma_wait3A_178 = tpu.memref_slice %arg3[%add3A, %run_scoped3A_4, %dma_wait3A_177] : memref<32x10x640xi32, #tpu.memory_space<hbm>> -> memref<1x1x640xi32, #tpu.memory_space<hbm>>
      %dma_wait3A_179 = tpu.memref_squeeze %dma_wait3A_178 : memref<1x1x640xi32, #tpu.memory_space<hbm>> -> memref<640xi32, #tpu.memory_space<hbm>>
      %dma_wait3A_180 = arith.constant 0 : i32
      %dma_wait3A_181 = tpu.memref_slice %arg3[%add3A, %run_scoped3A_4, %dma_wait3A_180] : memref<32x10x640xi32, #tpu.memory_space<hbm>> -> memref<1x1x640xi32, #tpu.memory_space<hbm>>
      %dma_wait3A_182 = tpu.memref_squeeze %dma_wait3A_181 : memref<1x1x640xi32, #tpu.memory_space<hbm>> -> memref<640xi32, #tpu.memory_space<hbm>>
      tpu.wait_dma2 semaphore(%run_scoped3A_170 : memref<!tpu.dma_semaphore, #tpu.memory_space<semaphore_mem>>) src(%dma_wait3A_182 : memref<640xi32, #tpu.memory_space<hbm>>) dst(%arg7 : memref<640xi32, #tpu.memory_space<vmem>>)
      tpu.yield
    }) : () -> ()
    %run_scoped3A_5 = arith.constant 3 : i32
    "tpu.region"() ({
      %run_scoped3A_170 = tpu.sem_alloc : memref<!tpu.dma_semaphore, #tpu.memory_space<semaphore_mem>>
      %dma_start3A_171 = arith.constant 0 : i32
      %dma_start3A_172 = tpu.memref_slice %arg3[%add3A, %run_scoped3A_5, %dma_start3A_171] : memref<32x10x640xi32, #tpu.memory_space<hbm>> -> memref<1x1x640xi32, #tpu.memory_space<hbm>>
      %dma_start3A_173 = tpu.memref_squeeze %dma_start3A_172 : memref<1x1x640xi32, #tpu.memory_space<hbm>> -> memref<640xi32, #tpu.memory_space<hbm>>
      %dma_start3A_174 = arith.constant 0 : i32
      %dma_start3A_175 = tpu.memref_slice %arg3[%add3A, %run_scoped3A_5, %dma_start3A_174] : memref<32x10x640xi32, #tpu.memory_space<hbm>> -> memref<1x1x640xi32, #tpu.memory_space<hbm>>
      %dma_start3A_176 = tpu.memref_squeeze %dma_start3A_175 : memref<1x1x640xi32, #tpu.memory_space<hbm>> -> memref<640xi32, #tpu.memory_space<hbm>>
      tpu.enqueue_dma source(%dma_start3A_176 : memref<640xi32, #tpu.memory_space<hbm>>) target(%arg8 : memref<640xi32, #tpu.memory_space<vmem>>) target_semaphore(%run_scoped3A_170 : memref<!tpu.dma_semaphore, #tpu.memory_space<semaphore_mem>>)
      %dma_wait3A_177 = arith.constant 0 : i32
      %dma_wait3A_178 = tpu.memref_slice %arg3[%add3A, %run_scoped3A_5, %dma_wait3A_177] : memref<32x10x640xi32, #tpu.memory_space<hbm>> -> memref<1x1x640xi32, #tpu.memory_space<hbm>>
      %dma_wait3A_179 = tpu.memref_squeeze %dma_wait3A_178 : memref<1x1x640xi32, #tpu.memory_space<hbm>> -> memref<640xi32, #tpu.memory_space<hbm>>
      %dma_wait3A_180 = arith.constant 0 : i32
      %dma_wait3A_181 = tpu.memref_slice %arg3[%add3A, %run_scoped3A_5, %dma_wait3A_180] : memref<32x10x640xi32, #tpu.memory_space<hbm>> -> memref<1x1x640xi32, #tpu.memory_space<hbm>>
      %dma_wait3A_182 = tpu.memref_squeeze %dma_wait3A_181 : memref<1x1x640xi32, #tpu.memory_space<hbm>> -> memref<640xi32, #tpu.memory_space<hbm>>
      tpu.wait_dma2 semaphore(%run_scoped3A_170 : memref<!tpu.dma_semaphore, #tpu.memory_space<semaphore_mem>>) src(%dma_wait3A_182 : memref<640xi32, #tpu.memory_space<hbm>>) dst(%arg8 : memref<640xi32, #tpu.memory_space<vmem>>)
      tpu.yield
    }) : () -> ()
    %run_scoped3A_6 = arith.constant 4 : i32
    "tpu.region"() ({
      %run_scoped3A_170 = tpu.sem_alloc : memref<!tpu.dma_semaphore, #tpu.memory_space<semaphore_mem>>
      %dma_start3A_171 = arith.constant 0 : i32
      %dma_start3A_172 = tpu.memref_slice %arg3[%add3A, %run_scoped3A_6, %dma_start3A_171] : memref<32x10x640xi32, #tpu.memory_space<hbm>> -> memref<1x1x640xi32, #tpu.memory_space<hbm>>
      %dma_start3A_173 = tpu.memref_squeeze %dma_start3A_172 : memref<1x1x640xi32, #tpu.memory_space<hbm>> -> memref<640xi32, #tpu.memory_space<hbm>>
      %dma_start3A_174 = arith.constant 0 : i32
      %dma_start3A_175 = tpu.memref_slice %arg3[%add3A, %run_scoped3A_6, %dma_start3A_174] : memref<32x10x640xi32, #tpu.memory_space<hbm>> -> memref<1x1x640xi32, #tpu.memory_space<hbm>>
      %dma_start3A_176 = tpu.memref_squeeze %dma_start3A_175 : memref<1x1x640xi32, #tpu.memory_space<hbm>> -> memref<640xi32, #tpu.memory_space<hbm>>
      tpu.enqueue_dma source(%dma_start3A_176 : memref<640xi32, #tpu.memory_space<hbm>>) target(%arg9 : memref<640xi32, #tpu.memory_space<vmem>>) target_semaphore(%run_scoped3A_170 : memref<!tpu.dma_semaphore, #tpu.memory_space<semaphore_mem>>)
      %dma_wait3A_177 = arith.constant 0 : i32
      %dma_wait3A_178 = tpu.memref_slice %arg3[%add3A, %run_scoped3A_6, %dma_wait3A_177] : memref<32x10x640xi32, #tpu.memory_space<hbm>> -> memref<1x1x640xi32, #tpu.memory_space<hbm>>
      %dma_wait3A_179 = tpu.memref_squeeze %dma_wait3A_178 : memref<1x1x640xi32, #tpu.memory_space<hbm>> -> memref<640xi32, #tpu.memory_space<hbm>>
      %dma_wait3A_180 = arith.constant 0 : i32
      %dma_wait3A_181 = tpu.memref_slice %arg3[%add3A, %run_scoped3A_6, %dma_wait3A_180] : memref<32x10x640xi32, #tpu.memory_space<hbm>> -> memref<1x1x640xi32, #tpu.memory_space<hbm>>
      %dma_wait3A_182 = tpu.memref_squeeze %dma_wait3A_181 : memref<1x1x640xi32, #tpu.memory_space<hbm>> -> memref<640xi32, #tpu.memory_space<hbm>>
      tpu.wait_dma2 semaphore(%run_scoped3A_170 : memref<!tpu.dma_semaphore, #tpu.memory_space<semaphore_mem>>) src(%dma_wait3A_182 : memref<640xi32, #tpu.memory_space<hbm>>) dst(%arg9 : memref<640xi32, #tpu.memory_space<vmem>>)
      tpu.yield
    }) : () -> ()
    %run_scoped3A_7 = arith.constant 5 : i32
    "tpu.region"() ({
      %run_scoped3A_170 = tpu.sem_alloc : memref<!tpu.dma_semaphore, #tpu.memory_space<semaphore_mem>>
      %dma_start3A_171 = arith.constant 0 : i32
      %dma_start3A_172 = tpu.memref_slice %arg3[%add3A, %run_scoped3A_7, %dma_start3A_171] : memref<32x10x640xi32, #tpu.memory_space<hbm>> -> memref<1x1x640xi32, #tpu.memory_space<hbm>>
      %dma_start3A_173 = tpu.memref_squeeze %dma_start3A_172 : memref<1x1x640xi32, #tpu.memory_space<hbm>> -> memref<640xi32, #tpu.memory_space<hbm>>
      %dma_start3A_174 = arith.constant 0 : i32
      %dma_start3A_175 = tpu.memref_slice %arg3[%add3A, %run_scoped3A_7, %dma_start3A_174] : memref<32x10x640xi32, #tpu.memory_space<hbm>> -> memref<1x1x640xi32, #tpu.memory_space<hbm>>
      %dma_start3A_176 = tpu.memref_squeeze %dma_start3A_175 : memref<1x1x640xi32, #tpu.memory_space<hbm>> -> memref<640xi32, #tpu.memory_space<hbm>>
      tpu.enqueue_dma source(%dma_start3A_176 : memref<640xi32, #tpu.memory_space<hbm>>) target(%arg10 : memref<640xi32, #tpu.memory_space<vmem>>) target_semaphore(%run_scoped3A_170 : memref<!tpu.dma_semaphore, #tpu.memory_space<semaphore_mem>>)
      %dma_wait3A_177 = arith.constant 0 : i32
      %dma_wait3A_178 = tpu.memref_slice %arg3[%add3A, %run_scoped3A_7, %dma_wait3A_177] : memref<32x10x640xi32, #tpu.memory_space<hbm>> -> memref<1x1x640xi32, #tpu.memory_space<hbm>>
      %dma_wait3A_179 = tpu.memref_squeeze %dma_wait3A_178 : memref<1x1x640xi32, #tpu.memory_space<hbm>> -> memref<640xi32, #tpu.memory_space<hbm>>
      %dma_wait3A_180 = arith.constant 0 : i32
      %dma_wait3A_181 = tpu.memref_slice %arg3[%add3A, %run_scoped3A_7, %dma_wait3A_180] : memref<32x10x640xi32, #tpu.memory_space<hbm>> -> memref<1x1x640xi32, #tpu.memory_space<hbm>>
      %dma_wait3A_182 = tpu.memref_squeeze %dma_wait3A_181 : memref<1x1x640xi32, #tpu.memory_space<hbm>> -> memref<640xi32, #tpu.memory_space<hbm>>
      tpu.wait_dma2 semaphore(%run_scoped3A_170 : memref<!tpu.dma_semaphore, #tpu.memory_space<semaphore_mem>>) src(%dma_wait3A_182 : memref<640xi32, #tpu.memory_space<hbm>>) dst(%arg10 : memref<640xi32, #tpu.memory_space<vmem>>)
      tpu.yield
    }) : () -> ()
    %run_scoped3A_8 = arith.constant 6 : i32
    "tpu.region"() ({
      %run_scoped3A_170 = tpu.sem_alloc : memref<!tpu.dma_semaphore, #tpu.memory_space<semaphore_mem>>
      %dma_start3A_171 = arith.constant 0 : i32
      %dma_start3A_172 = tpu.memref_slice %arg3[%add3A, %run_scoped3A_8, %dma_start3A_171] : memref<32x10x640xi32, #tpu.memory_space<hbm>> -> memref<1x1x640xi32, #tpu.memory_space<hbm>>
      %dma_start3A_173 = tpu.memref_squeeze %dma_start3A_172 : memref<1x1x640xi32, #tpu.memory_space<hbm>> -> memref<640xi32, #tpu.memory_space<hbm>>
      %dma_start3A_174 = arith.constant 0 : i32
      %dma_start3A_175 = tpu.memref_slice %arg3[%add3A, %run_scoped3A_8, %dma_start3A_174] : memref<32x10x640xi32, #tpu.memory_space<hbm>> -> memref<1x1x640xi32, #tpu.memory_space<hbm>>
      %dma_start3A_176 = tpu.memref_squeeze %dma_start3A_175 : memref<1x1x640xi32, #tpu.memory_space<hbm>> -> memref<640xi32, #tpu.memory_space<hbm>>
      tpu.enqueue_dma source(%dma_start3A_176 : memref<640xi32, #tpu.memory_space<hbm>>) target(%arg11 : memref<640xi32, #tpu.memory_space<vmem>>) target_semaphore(%run_scoped3A_170 : memref<!tpu.dma_semaphore, #tpu.memory_space<semaphore_mem>>)
      %dma_wait3A_177 = arith.constant 0 : i32
      %dma_wait3A_178 = tpu.memref_slice %arg3[%add3A, %run_scoped3A_8, %dma_wait3A_177] : memref<32x10x640xi32, #tpu.memory_space<hbm>> -> memref<1x1x640xi32, #tpu.memory_space<hbm>>
      %dma_wait3A_179 = tpu.memref_squeeze %dma_wait3A_178 : memref<1x1x640xi32, #tpu.memory_space<hbm>> -> memref<640xi32, #tpu.memory_space<hbm>>
      %dma_wait3A_180 = arith.constant 0 : i32
      %dma_wait3A_181 = tpu.memref_slice %arg3[%add3A, %run_scoped3A_8, %dma_wait3A_180] : memref<32x10x640xi32, #tpu.memory_space<hbm>> -> memref<1x1x640xi32, #tpu.memory_space<hbm>>
      %dma_wait3A_182 = tpu.memref_squeeze %dma_wait3A_181 : memref<1x1x640xi32, #tpu.memory_space<hbm>> -> memref<640xi32, #tpu.memory_space<hbm>>
      tpu.wait_dma2 semaphore(%run_scoped3A_170 : memref<!tpu.dma_semaphore, #tpu.memory_space<semaphore_mem>>) src(%dma_wait3A_182 : memref<640xi32, #tpu.memory_space<hbm>>) dst(%arg11 : memref<640xi32, #tpu.memory_space<vmem>>)
      tpu.yield
    }) : () -> ()
    %run_scoped3A_9 = arith.constant 7 : i32
    "tpu.region"() ({
      %run_scoped3A_170 = tpu.sem_alloc : memref<!tpu.dma_semaphore, #tpu.memory_space<semaphore_mem>>
      %dma_start3A_171 = arith.constant 0 : i32
      %dma_start3A_172 = tpu.memref_slice %arg3[%add3A, %run_scoped3A_9, %dma_start3A_171] : memref<32x10x640xi32, #tpu.memory_space<hbm>> -> memref<1x1x640xi32, #tpu.memory_space<hbm>>
      %dma_start3A_173 = tpu.memref_squeeze %dma_start3A_172 : memref<1x1x640xi32, #tpu.memory_space<hbm>> -> memref<640xi32, #tpu.memory_space<hbm>>
      %dma_start3A_174 = arith.constant 0 : i32
      %dma_start3A_175 = tpu.memref_slice %arg3[%add3A, %run_scoped3A_9, %dma_start3A_174] : memref<32x10x640xi32, #tpu.memory_space<hbm>> -> memref<1x1x640xi32, #tpu.memory_space<hbm>>
      %dma_start3A_176 = tpu.memref_squeeze %dma_start3A_175 : memref<1x1x640xi32, #tpu.memory_space<hbm>> -> memref<640xi32, #tpu.memory_space<hbm>>
      tpu.enqueue_dma source(%dma_start3A_176 : memref<640xi32, #tpu.memory_space<hbm>>) target(%arg12 : memref<640xi32, #tpu.memory_space<vmem>>) target_semaphore(%run_scoped3A_170 : memref<!tpu.dma_semaphore, #tpu.memory_space<semaphore_mem>>)
      %dma_wait3A_177 = arith.constant 0 : i32
      %dma_wait3A_178 = tpu.memref_slice %arg3[%add3A, %run_scoped3A_9, %dma_wait3A_177] : memref<32x10x640xi32, #tpu.memory_space<hbm>> -> memref<1x1x640xi32, #tpu.memory_space<hbm>>
      %dma_wait3A_179 = tpu.memref_squeeze %dma_wait3A_178 : memref<1x1x640xi32, #tpu.memory_space<hbm>> -> memref<640xi32, #tpu.memory_space<hbm>>
      %dma_wait3A_180 = arith.constant 0 : i32
      %dma_wait3A_181 = tpu.memref_slice %arg3[%add3A, %run_scoped3A_9, %dma_wait3A_180] : memref<32x10x640xi32, #tpu.memory_space<hbm>> -> memref<1x1x640xi32, #tpu.memory_space<hbm>>
      %dma_wait3A_182 = tpu.memref_squeeze %dma_wait3A_181 : memref<1x1x640xi32, #tpu.memory_space<hbm>> -> memref<640xi32, #tpu.memory_space<hbm>>
      tpu.wait_dma2 semaphore(%run_scoped3A_170 : memref<!tpu.dma_semaphore, #tpu.memory_space<semaphore_mem>>) src(%dma_wait3A_182 : memref<640xi32, #tpu.memory_space<hbm>>) dst(%arg12 : memref<640xi32, #tpu.memory_space<vmem>>)
      tpu.yield
    }) : () -> ()
    %run_scoped3A_10 = arith.constant 8 : i32
    "tpu.region"() ({
      %run_scoped3A_170 = tpu.sem_alloc : memref<!tpu.dma_semaphore, #tpu.memory_space<semaphore_mem>>
      %dma_start3A_171 = arith.constant 0 : i32
      %dma_start3A_172 = tpu.memref_slice %arg3[%add3A, %run_scoped3A_10, %dma_start3A_171] : memref<32x10x640xi32, #tpu.memory_space<hbm>> -> memref<1x1x640xi32, #tpu.memory_space<hbm>>
      %dma_start3A_173 = tpu.memref_squeeze %dma_start3A_172 : memref<1x1x640xi32, #tpu.memory_space<hbm>> -> memref<640xi32, #tpu.memory_space<hbm>>
      %dma_start3A_174 = arith.constant 0 : i32
      %dma_start3A_175 = tpu.memref_slice %arg3[%add3A, %run_scoped3A_10, %dma_start3A_174] : memref<32x10x640xi32, #tpu.memory_space<hbm>> -> memref<1x1x640xi32, #tpu.memory_space<hbm>>
      %dma_start3A_176 = tpu.memref_squeeze %dma_start3A_175 : memref<1x1x640xi32, #tpu.memory_space<hbm>> -> memref<640xi32, #tpu.memory_space<hbm>>
      tpu.enqueue_dma source(%dma_start3A_176 : memref<640xi32, #tpu.memory_space<hbm>>) target(%arg13 : memref<640xi32, #tpu.memory_space<vmem>>) target_semaphore(%run_scoped3A_170 : memref<!tpu.dma_semaphore, #tpu.memory_space<semaphore_mem>>)
      %dma_wait3A_177 = arith.constant 0 : i32
      %dma_wait3A_178 = tpu.memref_slice %arg3[%add3A, %run_scoped3A_10, %dma_wait3A_177] : memref<32x10x640xi32, #tpu.memory_space<hbm>> -> memref<1x1x640xi32, #tpu.memory_space<hbm>>
      %dma_wait3A_179 = tpu.memref_squeeze %dma_wait3A_178 : memref<1x1x640xi32, #tpu.memory_space<hbm>> -> memref<640xi32, #tpu.memory_space<hbm>>
      %dma_wait3A_180 = arith.constant 0 : i32
      %dma_wait3A_181 = tpu.memref_slice %arg3[%add3A, %run_scoped3A_10, %dma_wait3A_180] : memref<32x10x640xi32, #tpu.memory_space<hbm>> -> memref<1x1x640xi32, #tpu.memory_space<hbm>>
      %dma_wait3A_182 = tpu.memref_squeeze %dma_wait3A_181 : memref<1x1x640xi32, #tpu.memory_space<hbm>> -> memref<640xi32, #tpu.memory_space<hbm>>
      tpu.wait_dma2 semaphore(%run_scoped3A_170 : memref<!tpu.dma_semaphore, #tpu.memory_space<semaphore_mem>>) src(%dma_wait3A_182 : memref<640xi32, #tpu.memory_space<hbm>>) dst(%arg13 : memref<640xi32, #tpu.memory_space<vmem>>)
      tpu.yield
    }) : () -> ()
    %run_scoped3A_11 = arith.constant 9 : i32
    "tpu.region"() ({
      %run_scoped3A_170 = tpu.sem_alloc : memref<!tpu.dma_semaphore, #tpu.memory_space<semaphore_mem>>
      %dma_start3A_171 = arith.constant 0 : i32
      %dma_start3A_172 = tpu.memref_slice %arg3[%add3A, %run_scoped3A_11, %dma_start3A_171] : memref<32x10x640xi32, #tpu.memory_space<hbm>> -> memref<1x1x640xi32, #tpu.memory_space<hbm>>
      %dma_start3A_173 = tpu.memref_squeeze %dma_start3A_172 : memref<1x1x640xi32, #tpu.memory_space<hbm>> -> memref<640xi32, #tpu.memory_space<hbm>>
      %dma_start3A_174 = arith.constant 0 : i32
      %dma_start3A_175 = tpu.memref_slice %arg3[%add3A, %run_scoped3A_11, %dma_start3A_174] : memref<32x10x640xi32, #tpu.memory_space<hbm>> -> memref<1x1x640xi32, #tpu.memory_space<hbm>>
      %dma_start3A_176 = tpu.memref_squeeze %dma_start3A_175 : memref<1x1x640xi32, #tpu.memory_space<hbm>> -> memref<640xi32, #tpu.memory_space<hbm>>
      tpu.enqueue_dma source(%dma_start3A_176 : memref<640xi32, #tpu.memory_space<hbm>>) target(%arg14 : memref<640xi32, #tpu.memory_space<vmem>>) target_semaphore(%run_scoped3A_170 : memref<!tpu.dma_semaphore, #tpu.memory_space<semaphore_mem>>)
      %dma_wait3A_177 = arith.constant 0 : i32
      %dma_wait3A_178 = tpu.memref_slice %arg3[%add3A, %run_scoped3A_11, %dma_wait3A_177] : memref<32x10x640xi32, #tpu.memory_space<hbm>> -> memref<1x1x640xi32, #tpu.memory_space<hbm>>
      %dma_wait3A_179 = tpu.memref_squeeze %dma_wait3A_178 : memref<1x1x640xi32, #tpu.memory_space<hbm>> -> memref<640xi32, #tpu.memory_space<hbm>>
      %dma_wait3A_180 = arith.constant 0 : i32
      %dma_wait3A_181 = tpu.memref_slice %arg3[%add3A, %run_scoped3A_11, %dma_wait3A_180] : memref<32x10x640xi32, #tpu.memory_space<hbm>> -> memref<1x1x640xi32, #tpu.memory_space<hbm>>
      %dma_wait3A_182 = tpu.memref_squeeze %dma_wait3A_181 : memref<1x1x640xi32, #tpu.memory_space<hbm>> -> memref<640xi32, #tpu.memory_space<hbm>>
      tpu.wait_dma2 semaphore(%run_scoped3A_170 : memref<!tpu.dma_semaphore, #tpu.memory_space<semaphore_mem>>) src(%dma_wait3A_182 : memref<640xi32, #tpu.memory_space<hbm>>) dst(%arg14 : memref<640xi32, #tpu.memory_space<vmem>>)
      tpu.yield
    }) : () -> ()
    %dma_start3A = arith.constant 0 : i32
    %dma_start3A_12 = arith.constant 0 : i32
    %dma_start3A_13 = tpu.memref_slice %arg2[%dma_start3A, %dma_start3A_12] : memref<1003520x64xf32, #tpu.memory_space<hbm>> -> memref<1003520x64xf32, #tpu.memory_space<hbm>>
    tpu.enqueue_indirect_dma source(%dma_start3A_13 : memref<1003520x64xf32, #tpu.memory_space<hbm>>) target(%arg15 : memref<640x64xf32, #tpu.memory_space<vmem>>) offsets(%arg5 : memref<640xi32, #tpu.memory_space<vmem>>) semaphore(%arg17 : memref<!tpu.dma_semaphore, #tpu.memory_space<semaphore_mem>>)
    %dma_start3A_14 = arith.constant 0 : i32
    %dma_start3A_15 = arith.constant 0 : i32
    %dma_start3A_16 = tpu.memref_slice %arg2[%dma_start3A_14, %dma_start3A_15] : memref<1003520x64xf32, #tpu.memory_space<hbm>> -> memref<1003520x64xf32, #tpu.memory_space<hbm>>
    tpu.enqueue_indirect_dma source(%dma_start3A_16 : memref<1003520x64xf32, #tpu.memory_space<hbm>>) target(%arg16 : memref<640x64xf32, #tpu.memory_space<vmem>>) offsets(%arg6 : memref<640xi32, #tpu.memory_space<vmem>>) semaphore(%arg18 : memref<!tpu.dma_semaphore, #tpu.memory_space<semaphore_mem>>)
    %dma_wait3A = arith.constant 0 : i32
    %dma_wait3A_17 = arith.constant 0 : i32
    %dma_wait3A_18 = tpu.memref_slice %arg2[%dma_wait3A, %dma_wait3A_17] : memref<1003520x64xf32, #tpu.memory_space<hbm>> -> memref<1003520x64xf32, #tpu.memory_space<hbm>>
    tpu.wait_indirect_dma semaphore(%arg17 : memref<!tpu.dma_semaphore, #tpu.memory_space<semaphore_mem>>) src(%dma_wait3A_18 : memref<1003520x64xf32, #tpu.memory_space<hbm>>) dst(%arg15 : memref<640x64xf32, #tpu.memory_space<vmem>>)
    %add3A_19 = arith.constant 0 : i32
    %add3A_20 = arith.addi %mul3A_2, %add3A_19 : i32
    %dma_start3A_21 = arith.constant 0 : i32
    %dma_start3A_22 = tpu.memref_slice %arg4[%add3A_20, %dma_start3A_21] : memref<204800x64xf32, #tpu.memory_space<hbm>> -> memref<640x64xf32, #tpu.memory_space<hbm>>
    %dma_start3A_23 = arith.constant 0 : i32
    %dma_start3A_24 = tpu.memref_slice %arg4[%add3A_20, %dma_start3A_23] : memref<204800x64xf32, #tpu.memory_space<hbm>> -> memref<640x64xf32, #tpu.memory_space<hbm>>
    tpu.enqueue_dma source(%arg15 : memref<640x64xf32, #tpu.memory_space<vmem>>) target(%dma_start3A_24 : memref<640x64xf32, #tpu.memory_space<hbm>>) target_semaphore(%arg19 : memref<!tpu.dma_semaphore, #tpu.memory_space<semaphore_mem>>)
    %dma_wait3A_25 = arith.constant 0 : i32
    %dma_wait3A_26 = tpu.memref_slice %arg4[%add3A_20, %dma_wait3A_25] : memref<204800x64xf32, #tpu.memory_space<hbm>> -> memref<640x64xf32, #tpu.memory_space<hbm>>
    %dma_wait3A_27 = arith.constant 0 : i32
    %dma_wait3A_28 = tpu.memref_slice %arg4[%add3A_20, %dma_wait3A_27] : memref<204800x64xf32, #tpu.memory_space<hbm>> -> memref<640x64xf32, #tpu.memory_space<hbm>>
    tpu.wait_dma2 semaphore(%arg19 : memref<!tpu.dma_semaphore, #tpu.memory_space<semaphore_mem>>) src(%arg15 : memref<640x64xf32, #tpu.memory_space<vmem>>) dst(%dma_wait3A_28 : memref<640x64xf32, #tpu.memory_space<hbm>>)
    %dma_start3A_29 = arith.constant 0 : i32
    %dma_start3A_30 = arith.constant 0 : i32
    %dma_start3A_31 = tpu.memref_slice %arg2[%dma_start3A_29, %dma_start3A_30] : memref<1003520x64xf32, #tpu.memory_space<hbm>> -> memref<1003520x64xf32, #tpu.memory_space<hbm>>
    tpu.enqueue_indirect_dma source(%dma_start3A_31 : memref<1003520x64xf32, #tpu.memory_space<hbm>>) target(%arg15 : memref<640x64xf32, #tpu.memory_space<vmem>>) offsets(%arg7 : memref<640xi32, #tpu.memory_space<vmem>>) semaphore(%arg17 : memref<!tpu.dma_semaphore, #tpu.memory_space<semaphore_mem>>)
    %dma_wait3A_32 = arith.constant 0 : i32
    %dma_wait3A_33 = arith.constant 0 : i32
    %dma_wait3A_34 = tpu.memref_slice %arg2[%dma_wait3A_32, %dma_wait3A_33] : memref<1003520x64xf32, #tpu.memory_space<hbm>> -> memref<1003520x64xf32, #tpu.memory_space<hbm>>
    tpu.wait_indirect_dma semaphore(%arg18 : memref<!tpu.dma_semaphore, #tpu.memory_space<semaphore_mem>>) src(%dma_wait3A_34 : memref<1003520x64xf32, #tpu.memory_space<hbm>>) dst(%arg16 : memref<640x64xf32, #tpu.memory_space<vmem>>)
    %add3A_35 = arith.constant 640 : i32
    %add3A_36 = arith.addi %mul3A_2, %add3A_35 : i32
    %dma_start3A_37 = arith.constant 0 : i32
    %dma_start3A_38 = tpu.memref_slice %arg4[%add3A_36, %dma_start3A_37] : memref<204800x64xf32, #tpu.memory_space<hbm>> -> memref<640x64xf32, #tpu.memory_space<hbm>>
    %dma_start3A_39 = arith.constant 0 : i32
    %dma_start3A_40 = tpu.memref_slice %arg4[%add3A_36, %dma_start3A_39] : memref<204800x64xf32, #tpu.memory_space<hbm>> -> memref<640x64xf32, #tpu.memory_space<hbm>>
    tpu.enqueue_dma source(%arg16 : memref<640x64xf32, #tpu.memory_space<vmem>>) target(%dma_start3A_40 : memref<640x64xf32, #tpu.memory_space<hbm>>) target_semaphore(%arg20 : memref<!tpu.dma_semaphore, #tpu.memory_space<semaphore_mem>>)
    %dma_wait3A_41 = arith.constant 0 : i32
    %dma_wait3A_42 = tpu.memref_slice %arg4[%add3A_36, %dma_wait3A_41] : memref<204800x64xf32, #tpu.memory_space<hbm>> -> memref<640x64xf32, #tpu.memory_space<hbm>>
    %dma_wait3A_43 = arith.constant 0 : i32
    %dma_wait3A_44 = tpu.memref_slice %arg4[%add3A_36, %dma_wait3A_43] : memref<204800x64xf32, #tpu.memory_space<hbm>> -> memref<640x64xf32, #tpu.memory_space<hbm>>
    tpu.wait_dma2 semaphore(%arg20 : memref<!tpu.dma_semaphore, #tpu.memory_space<semaphore_mem>>) src(%arg16 : memref<640x64xf32, #tpu.memory_space<vmem>>) dst(%dma_wait3A_44 : memref<640x64xf32, #tpu.memory_space<hbm>>)
    %dma_start3A_45 = arith.constant 0 : i32
    %dma_start3A_46 = arith.constant 0 : i32
    %dma_start3A_47 = tpu.memref_slice %arg2[%dma_start3A_45, %dma_start3A_46] : memref<1003520x64xf32, #tpu.memory_space<hbm>> -> memref<1003520x64xf32, #tpu.memory_space<hbm>>
    tpu.enqueue_indirect_dma source(%dma_start3A_47 : memref<1003520x64xf32, #tpu.memory_space<hbm>>) target(%arg16 : memref<640x64xf32, #tpu.memory_space<vmem>>) offsets(%arg8 : memref<640xi32, #tpu.memory_space<vmem>>) semaphore(%arg18 : memref<!tpu.dma_semaphore, #tpu.memory_space<semaphore_mem>>)
    %dma_wait3A_48 = arith.constant 0 : i32
    %dma_wait3A_49 = arith.constant 0 : i32
    %dma_wait3A_50 = tpu.memref_slice %arg2[%dma_wait3A_48, %dma_wait3A_49] : memref<1003520x64xf32, #tpu.memory_space<hbm>> -> memref<1003520x64xf32, #tpu.memory_space<hbm>>
    tpu.wait_indirect_dma semaphore(%arg17 : memref<!tpu.dma_semaphore, #tpu.memory_space<semaphore_mem>>) src(%dma_wait3A_50 : memref<1003520x64xf32, #tpu.memory_space<hbm>>) dst(%arg15 : memref<640x64xf32, #tpu.memory_space<vmem>>)
    %add3A_51 = arith.constant 1280 : i32
    %add3A_52 = arith.addi %mul3A_2, %add3A_51 : i32
    %dma_start3A_53 = arith.constant 0 : i32
    %dma_start3A_54 = tpu.memref_slice %arg4[%add3A_52, %dma_start3A_53] : memref<204800x64xf32, #tpu.memory_space<hbm>> -> memref<640x64xf32, #tpu.memory_space<hbm>>
    %dma_start3A_55 = arith.constant 0 : i32
    %dma_start3A_56 = tpu.memref_slice %arg4[%add3A_52, %dma_start3A_55] : memref<204800x64xf32, #tpu.memory_space<hbm>> -> memref<640x64xf32, #tpu.memory_space<hbm>>
    tpu.enqueue_dma source(%arg15 : memref<640x64xf32, #tpu.memory_space<vmem>>) target(%dma_start3A_56 : memref<640x64xf32, #tpu.memory_space<hbm>>) target_semaphore(%arg19 : memref<!tpu.dma_semaphore, #tpu.memory_space<semaphore_mem>>)
    %dma_wait3A_57 = arith.constant 0 : i32
    %dma_wait3A_58 = tpu.memref_slice %arg4[%add3A_52, %dma_wait3A_57] : memref<204800x64xf32, #tpu.memory_space<hbm>> -> memref<640x64xf32, #tpu.memory_space<hbm>>
    %dma_wait3A_59 = arith.constant 0 : i32
    %dma_wait3A_60 = tpu.memref_slice %arg4[%add3A_52, %dma_wait3A_59] : memref<204800x64xf32, #tpu.memory_space<hbm>> -> memref<640x64xf32, #tpu.memory_space<hbm>>
    tpu.wait_dma2 semaphore(%arg19 : memref<!tpu.dma_semaphore, #tpu.memory_space<semaphore_mem>>) src(%arg15 : memref<640x64xf32, #tpu.memory_space<vmem>>) dst(%dma_wait3A_60 : memref<640x64xf32, #tpu.memory_space<hbm>>)
    %dma_start3A_61 = arith.constant 0 : i32
    %dma_start3A_62 = arith.constant 0 : i32
    %dma_start3A_63 = tpu.memref_slice %arg2[%dma_start3A_61, %dma_start3A_62] : memref<1003520x64xf32, #tpu.memory_space<hbm>> -> memref<1003520x64xf32, #tpu.memory_space<hbm>>
    tpu.enqueue_indirect_dma source(%dma_start3A_63 : memref<1003520x64xf32, #tpu.memory_space<hbm>>) target(%arg15 : memref<640x64xf32, #tpu.memory_space<vmem>>) offsets(%arg9 : memref<640xi32, #tpu.memory_space<vmem>>) semaphore(%arg17 : memref<!tpu.dma_semaphore, #tpu.memory_space<semaphore_mem>>)
    %dma_wait3A_64 = arith.constant 0 : i32
    %dma_wait3A_65 = arith.constant 0 : i32
    %dma_wait3A_66 = tpu.memref_slice %arg2[%dma_wait3A_64, %dma_wait3A_65] : memref<1003520x64xf32, #tpu.memory_space<hbm>> -> memref<1003520x64xf32, #tpu.memory_space<hbm>>
    tpu.wait_indirect_dma semaphore(%arg18 : memref<!tpu.dma_semaphore, #tpu.memory_space<semaphore_mem>>) src(%dma_wait3A_66 : memref<1003520x64xf32, #tpu.memory_space<hbm>>) dst(%arg16 : memref<640x64xf32, #tpu.memory_space<vmem>>)
    %add3A_67 = arith.constant 1920 : i32
    %add3A_68 = arith.addi %mul3A_2, %add3A_67 : i32
    %dma_start3A_69 = arith.constant 0 : i32
    %dma_start3A_70 = tpu.memref_slice %arg4[%add3A_68, %dma_start3A_69] : memref<204800x64xf32, #tpu.memory_space<hbm>> -> memref<640x64xf32, #tpu.memory_space<hbm>>
    %dma_start3A_71 = arith.constant 0 : i32
    %dma_start3A_72 = tpu.memref_slice %arg4[%add3A_68, %dma_start3A_71] : memref<204800x64xf32, #tpu.memory_space<hbm>> -> memref<640x64xf32, #tpu.memory_space<hbm>>
    tpu.enqueue_dma source(%arg16 : memref<640x64xf32, #tpu.memory_space<vmem>>) target(%dma_start3A_72 : memref<640x64xf32, #tpu.memory_space<hbm>>) target_semaphore(%arg20 : memref<!tpu.dma_semaphore, #tpu.memory_space<semaphore_mem>>)
    %dma_wait3A_73 = arith.constant 0 : i32
    %dma_wait3A_74 = tpu.memref_slice %arg4[%add3A_68, %dma_wait3A_73] : memref<204800x64xf32, #tpu.memory_space<hbm>> -> memref<640x64xf32, #tpu.memory_space<hbm>>
    %dma_wait3A_75 = arith.constant 0 : i32
    %dma_wait3A_76 = tpu.memref_slice %arg4[%add3A_68, %dma_wait3A_75] : memref<204800x64xf32, #tpu.memory_space<hbm>> -> memref<640x64xf32, #tpu.memory_space<hbm>>
    tpu.wait_dma2 semaphore(%arg20 : memref<!tpu.dma_semaphore, #tpu.memory_space<semaphore_mem>>) src(%arg16 : memref<640x64xf32, #tpu.memory_space<vmem>>) dst(%dma_wait3A_76 : memref<640x64xf32, #tpu.memory_space<hbm>>)
    %dma_start3A_77 = arith.constant 0 : i32
    %dma_start3A_78 = arith.constant 0 : i32
    %dma_start3A_79 = tpu.memref_slice %arg2[%dma_start3A_77, %dma_start3A_78] : memref<1003520x64xf32, #tpu.memory_space<hbm>> -> memref<1003520x64xf32, #tpu.memory_space<hbm>>
    tpu.enqueue_indirect_dma source(%dma_start3A_79 : memref<1003520x64xf32, #tpu.memory_space<hbm>>) target(%arg16 : memref<640x64xf32, #tpu.memory_space<vmem>>) offsets(%arg10 : memref<640xi32, #tpu.memory_space<vmem>>) semaphore(%arg18 : memref<!tpu.dma_semaphore, #tpu.memory_space<semaphore_mem>>)
    %dma_wait3A_80 = arith.constant 0 : i32
    %dma_wait3A_81 = arith.constant 0 : i32
    %dma_wait3A_82 = tpu.memref_slice %arg2[%dma_wait3A_80, %dma_wait3A_81] : memref<1003520x64xf32, #tpu.memory_space<hbm>> -> memref<1003520x64xf32, #tpu.memory_space<hbm>>
    tpu.wait_indirect_dma semaphore(%arg17 : memref<!tpu.dma_semaphore, #tpu.memory_space<semaphore_mem>>) src(%dma_wait3A_82 : memref<1003520x64xf32, #tpu.memory_space<hbm>>) dst(%arg15 : memref<640x64xf32, #tpu.memory_space<vmem>>)
    %add3A_83 = arith.constant 2560 : i32
    %add3A_84 = arith.addi %mul3A_2, %add3A_83 : i32
    %dma_start3A_85 = arith.constant 0 : i32
    %dma_start3A_86 = tpu.memref_slice %arg4[%add3A_84, %dma_start3A_85] : memref<204800x64xf32, #tpu.memory_space<hbm>> -> memref<640x64xf32, #tpu.memory_space<hbm>>
    %dma_start3A_87 = arith.constant 0 : i32
    %dma_start3A_88 = tpu.memref_slice %arg4[%add3A_84, %dma_start3A_87] : memref<204800x64xf32, #tpu.memory_space<hbm>> -> memref<640x64xf32, #tpu.memory_space<hbm>>
    tpu.enqueue_dma source(%arg15 : memref<640x64xf32, #tpu.memory_space<vmem>>) target(%dma_start3A_88 : memref<640x64xf32, #tpu.memory_space<hbm>>) target_semaphore(%arg19 : memref<!tpu.dma_semaphore, #tpu.memory_space<semaphore_mem>>)
    %dma_wait3A_89 = arith.constant 0 : i32
    %dma_wait3A_90 = tpu.memref_slice %arg4[%add3A_84, %dma_wait3A_89] : memref<204800x64xf32, #tpu.memory_space<hbm>> -> memref<640x64xf32, #tpu.memory_space<hbm>>
    %dma_wait3A_91 = arith.constant 0 : i32
    %dma_wait3A_92 = tpu.memref_slice %arg4[%add3A_84, %dma_wait3A_91] : memref<204800x64xf32, #tpu.memory_space<hbm>> -> memref<640x64xf32, #tpu.memory_space<hbm>>
    tpu.wait_dma2 semaphore(%arg19 : memref<!tpu.dma_semaphore, #tpu.memory_space<semaphore_mem>>) src(%arg15 : memref<640x64xf32, #tpu.memory_space<vmem>>) dst(%dma_wait3A_92 : memref<640x64xf32, #tpu.memory_space<hbm>>)
    %dma_start3A_93 = arith.constant 0 : i32
    %dma_start3A_94 = arith.constant 0 : i32
    %dma_start3A_95 = tpu.memref_slice %arg2[%dma_start3A_93, %dma_start3A_94] : memref<1003520x64xf32, #tpu.memory_space<hbm>> -> memref<1003520x64xf32, #tpu.memory_space<hbm>>
    tpu.enqueue_indirect_dma source(%dma_start3A_95 : memref<1003520x64xf32, #tpu.memory_space<hbm>>) target(%arg15 : memref<640x64xf32, #tpu.memory_space<vmem>>) offsets(%arg11 : memref<640xi32, #tpu.memory_space<vmem>>) semaphore(%arg17 : memref<!tpu.dma_semaphore, #tpu.memory_space<semaphore_mem>>)
    %dma_wait3A_96 = arith.constant 0 : i32
    %dma_wait3A_97 = arith.constant 0 : i32
    %dma_wait3A_98 = tpu.memref_slice %arg2[%dma_wait3A_96, %dma_wait3A_97] : memref<1003520x64xf32, #tpu.memory_space<hbm>> -> memref<1003520x64xf32, #tpu.memory_space<hbm>>
    tpu.wait_indirect_dma semaphore(%arg18 : memref<!tpu.dma_semaphore, #tpu.memory_space<semaphore_mem>>) src(%dma_wait3A_98 : memref<1003520x64xf32, #tpu.memory_space<hbm>>) dst(%arg16 : memref<640x64xf32, #tpu.memory_space<vmem>>)
    %add3A_99 = arith.constant 3200 : i32
    %add3A_100 = arith.addi %mul3A_2, %add3A_99 : i32
    %dma_start3A_101 = arith.constant 0 : i32
    %dma_start3A_102 = tpu.memref_slice %arg4[%add3A_100, %dma_start3A_101] : memref<204800x64xf32, #tpu.memory_space<hbm>> -> memref<640x64xf32, #tpu.memory_space<hbm>>
    %dma_start3A_103 = arith.constant 0 : i32
    %dma_start3A_104 = tpu.memref_slice %arg4[%add3A_100, %dma_start3A_103] : memref<204800x64xf32, #tpu.memory_space<hbm>> -> memref<640x64xf32, #tpu.memory_space<hbm>>
    tpu.enqueue_dma source(%arg16 : memref<640x64xf32, #tpu.memory_space<vmem>>) target(%dma_start3A_104 : memref<640x64xf32, #tpu.memory_space<hbm>>) target_semaphore(%arg20 : memref<!tpu.dma_semaphore, #tpu.memory_space<semaphore_mem>>)
    %dma_wait3A_105 = arith.constant 0 : i32
    %dma_wait3A_106 = tpu.memref_slice %arg4[%add3A_100, %dma_wait3A_105] : memref<204800x64xf32, #tpu.memory_space<hbm>> -> memref<640x64xf32, #tpu.memory_space<hbm>>
    %dma_wait3A_107 = arith.constant 0 : i32
    %dma_wait3A_108 = tpu.memref_slice %arg4[%add3A_100, %dma_wait3A_107] : memref<204800x64xf32, #tpu.memory_space<hbm>> -> memref<640x64xf32, #tpu.memory_space<hbm>>
    tpu.wait_dma2 semaphore(%arg20 : memref<!tpu.dma_semaphore, #tpu.memory_space<semaphore_mem>>) src(%arg16 : memref<640x64xf32, #tpu.memory_space<vmem>>) dst(%dma_wait3A_108 : memref<640x64xf32, #tpu.memory_space<hbm>>)
    %dma_start3A_109 = arith.constant 0 : i32
    %dma_start3A_110 = arith.constant 0 : i32
    %dma_start3A_111 = tpu.memref_slice %arg2[%dma_start3A_109, %dma_start3A_110] : memref<1003520x64xf32, #tpu.memory_space<hbm>> -> memref<1003520x64xf32, #tpu.memory_space<hbm>>
    tpu.enqueue_indirect_dma source(%dma_start3A_111 : memref<1003520x64xf32, #tpu.memory_space<hbm>>) target(%arg16 : memref<640x64xf32, #tpu.memory_space<vmem>>) offsets(%arg12 : memref<640xi32, #tpu.memory_space<vmem>>) semaphore(%arg18 : memref<!tpu.dma_semaphore, #tpu.memory_space<semaphore_mem>>)
    %dma_wait3A_112 = arith.constant 0 : i32
    %dma_wait3A_113 = arith.constant 0 : i32
    %dma_wait3A_114 = tpu.memref_slice %arg2[%dma_wait3A_112, %dma_wait3A_113] : memref<1003520x64xf32, #tpu.memory_space<hbm>> -> memref<1003520x64xf32, #tpu.memory_space<hbm>>
    tpu.wait_indirect_dma semaphore(%arg17 : memref<!tpu.dma_semaphore, #tpu.memory_space<semaphore_mem>>) src(%dma_wait3A_114 : memref<1003520x64xf32, #tpu.memory_space<hbm>>) dst(%arg15 : memref<640x64xf32, #tpu.memory_space<vmem>>)
    %add3A_115 = arith.constant 3840 : i32
    %add3A_116 = arith.addi %mul3A_2, %add3A_115 : i32
    %dma_start3A_117 = arith.constant 0 : i32
    %dma_start3A_118 = tpu.memref_slice %arg4[%add3A_116, %dma_start3A_117] : memref<204800x64xf32, #tpu.memory_space<hbm>> -> memref<640x64xf32, #tpu.memory_space<hbm>>
    %dma_start3A_119 = arith.constant 0 : i32
    %dma_start3A_120 = tpu.memref_slice %arg4[%add3A_116, %dma_start3A_119] : memref<204800x64xf32, #tpu.memory_space<hbm>> -> memref<640x64xf32, #tpu.memory_space<hbm>>
    tpu.enqueue_dma source(%arg15 : memref<640x64xf32, #tpu.memory_space<vmem>>) target(%dma_start3A_120 : memref<640x64xf32, #tpu.memory_space<hbm>>) target_semaphore(%arg19 : memref<!tpu.dma_semaphore, #tpu.memory_space<semaphore_mem>>)
    %dma_wait3A_121 = arith.constant 0 : i32
    %dma_wait3A_122 = tpu.memref_slice %arg4[%add3A_116, %dma_wait3A_121] : memref<204800x64xf32, #tpu.memory_space<hbm>> -> memref<640x64xf32, #tpu.memory_space<hbm>>
    %dma_wait3A_123 = arith.constant 0 : i32
    %dma_wait3A_124 = tpu.memref_slice %arg4[%add3A_116, %dma_wait3A_123] : memref<204800x64xf32, #tpu.memory_space<hbm>> -> memref<640x64xf32, #tpu.memory_space<hbm>>
    tpu.wait_dma2 semaphore(%arg19 : memref<!tpu.dma_semaphore, #tpu.memory_space<semaphore_mem>>) src(%arg15 : memref<640x64xf32, #tpu.memory_space<vmem>>) dst(%dma_wait3A_124 : memref<640x64xf32, #tpu.memory_space<hbm>>)
    %dma_start3A_125 = arith.constant 0 : i32
    %dma_start3A_126 = arith.constant 0 : i32
    %dma_start3A_127 = tpu.memref_slice %arg2[%dma_start3A_125, %dma_start3A_126] : memref<1003520x64xf32, #tpu.memory_space<hbm>> -> memref<1003520x64xf32, #tpu.memory_space<hbm>>
    tpu.enqueue_indirect_dma source(%dma_start3A_127 : memref<1003520x64xf32, #tpu.memory_space<hbm>>) target(%arg15 : memref<640x64xf32, #tpu.memory_space<vmem>>) offsets(%arg13 : memref<640xi32, #tpu.memory_space<vmem>>) semaphore(%arg17 : memref<!tpu.dma_semaphore, #tpu.memory_space<semaphore_mem>>)
    %dma_wait3A_128 = arith.constant 0 : i32
    %dma_wait3A_129 = arith.constant 0 : i32
    %dma_wait3A_130 = tpu.memref_slice %arg2[%dma_wait3A_128, %dma_wait3A_129] : memref<1003520x64xf32, #tpu.memory_space<hbm>> -> memref<1003520x64xf32, #tpu.memory_space<hbm>>
    tpu.wait_indirect_dma semaphore(%arg18 : memref<!tpu.dma_semaphore, #tpu.memory_space<semaphore_mem>>) src(%dma_wait3A_130 : memref<1003520x64xf32, #tpu.memory_space<hbm>>) dst(%arg16 : memref<640x64xf32, #tpu.memory_space<vmem>>)
    %add3A_131 = arith.constant 4480 : i32
    %add3A_132 = arith.addi %mul3A_2, %add3A_131 : i32
    %dma_start3A_133 = arith.constant 0 : i32
    %dma_start3A_134 = tpu.memref_slice %arg4[%add3A_132, %dma_start3A_133] : memref<204800x64xf32, #tpu.memory_space<hbm>> -> memref<640x64xf32, #tpu.memory_space<hbm>>
    %dma_start3A_135 = arith.constant 0 : i32
    %dma_start3A_136 = tpu.memref_slice %arg4[%add3A_132, %dma_start3A_135] : memref<204800x64xf32, #tpu.memory_space<hbm>> -> memref<640x64xf32, #tpu.memory_space<hbm>>
    tpu.enqueue_dma source(%arg16 : memref<640x64xf32, #tpu.memory_space<vmem>>) target(%dma_start3A_136 : memref<640x64xf32, #tpu.memory_space<hbm>>) target_semaphore(%arg20 : memref<!tpu.dma_semaphore, #tpu.memory_space<semaphore_mem>>)
    %dma_wait3A_137 = arith.constant 0 : i32
    %dma_wait3A_138 = tpu.memref_slice %arg4[%add3A_132, %dma_wait3A_137] : memref<204800x64xf32, #tpu.memory_space<hbm>> -> memref<640x64xf32, #tpu.memory_space<hbm>>
    %dma_wait3A_139 = arith.constant 0 : i32
    %dma_wait3A_140 = tpu.memref_slice %arg4[%add3A_132, %dma_wait3A_139] : memref<204800x64xf32, #tpu.memory_space<hbm>> -> memref<640x64xf32, #tpu.memory_space<hbm>>
    tpu.wait_dma2 semaphore(%arg20 : memref<!tpu.dma_semaphore, #tpu.memory_space<semaphore_mem>>) src(%arg16 : memref<640x64xf32, #tpu.memory_space<vmem>>) dst(%dma_wait3A_140 : memref<640x64xf32, #tpu.memory_space<hbm>>)
    %dma_start3A_141 = arith.constant 0 : i32
    %dma_start3A_142 = arith.constant 0 : i32
    %dma_start3A_143 = tpu.memref_slice %arg2[%dma_start3A_141, %dma_start3A_142] : memref<1003520x64xf32, #tpu.memory_space<hbm>> -> memref<1003520x64xf32, #tpu.memory_space<hbm>>
    tpu.enqueue_indirect_dma source(%dma_start3A_143 : memref<1003520x64xf32, #tpu.memory_space<hbm>>) target(%arg16 : memref<640x64xf32, #tpu.memory_space<vmem>>) offsets(%arg14 : memref<640xi32, #tpu.memory_space<vmem>>) semaphore(%arg18 : memref<!tpu.dma_semaphore, #tpu.memory_space<semaphore_mem>>)
    %dma_wait3A_144 = arith.constant 0 : i32
    %dma_wait3A_145 = arith.constant 0 : i32
    %dma_wait3A_146 = tpu.memref_slice %arg2[%dma_wait3A_144, %dma_wait3A_145] : memref<1003520x64xf32, #tpu.memory_space<hbm>> -> memref<1003520x64xf32, #tpu.memory_space<hbm>>
    tpu.wait_indirect_dma semaphore(%arg17 : memref<!tpu.dma_semaphore, #tpu.memory_space<semaphore_mem>>) src(%dma_wait3A_146 : memref<1003520x64xf32, #tpu.memory_space<hbm>>) dst(%arg15 : memref<640x64xf32, #tpu.memory_space<vmem>>)
    %add3A_147 = arith.constant 5120 : i32
    %add3A_148 = arith.addi %mul3A_2, %add3A_147 : i32
    %dma_start3A_149 = arith.constant 0 : i32
    %dma_start3A_150 = tpu.memref_slice %arg4[%add3A_148, %dma_start3A_149] : memref<204800x64xf32, #tpu.memory_space<hbm>> -> memref<640x64xf32, #tpu.memory_space<hbm>>
    %dma_start3A_151 = arith.constant 0 : i32
    %dma_start3A_152 = tpu.memref_slice %arg4[%add3A_148, %dma_start3A_151] : memref<204800x64xf32, #tpu.memory_space<hbm>> -> memref<640x64xf32, #tpu.memory_space<hbm>>
    tpu.enqueue_dma source(%arg15 : memref<640x64xf32, #tpu.memory_space<vmem>>) target(%dma_start3A_152 : memref<640x64xf32, #tpu.memory_space<hbm>>) target_semaphore(%arg19 : memref<!tpu.dma_semaphore, #tpu.memory_space<semaphore_mem>>)
    %dma_wait3A_153 = arith.constant 0 : i32
    %dma_wait3A_154 = arith.constant 0 : i32
    %dma_wait3A_155 = tpu.memref_slice %arg2[%dma_wait3A_153, %dma_wait3A_154] : memref<1003520x64xf32, #tpu.memory_space<hbm>> -> memref<1003520x64xf32, #tpu.memory_space<hbm>>
    tpu.wait_indirect_dma semaphore(%arg18 : memref<!tpu.dma_semaphore, #tpu.memory_space<semaphore_mem>>) src(%dma_wait3A_155 : memref<1003520x64xf32, #tpu.memory_space<hbm>>) dst(%arg16 : memref<640x64xf32, #tpu.memory_space<vmem>>)
    %add3A_156 = arith.constant 5760 : i32
    %add3A_157 = arith.addi %mul3A_2, %add3A_156 : i32
    %dma_start3A_158 = arith.constant 0 : i32
    %dma_start3A_159 = tpu.memref_slice %arg4[%add3A_157, %dma_start3A_158] : memref<204800x64xf32, #tpu.memory_space<hbm>> -> memref<640x64xf32, #tpu.memory_space<hbm>>
    %dma_start3A_160 = arith.constant 0 : i32
    %dma_start3A_161 = tpu.memref_slice %arg4[%add3A_157, %dma_start3A_160] : memref<204800x64xf32, #tpu.memory_space<hbm>> -> memref<640x64xf32, #tpu.memory_space<hbm>>
    tpu.enqueue_dma source(%arg16 : memref<640x64xf32, #tpu.memory_space<vmem>>) target(%dma_start3A_161 : memref<640x64xf32, #tpu.memory_space<hbm>>) target_semaphore(%arg20 : memref<!tpu.dma_semaphore, #tpu.memory_space<semaphore_mem>>)
    %dma_wait3A_162 = arith.constant 0 : i32
    %dma_wait3A_163 = tpu.memref_slice %arg4[%add3A_148, %dma_wait3A_162] : memref<204800x64xf32, #tpu.memory_space<hbm>> -> memref<640x64xf32, #tpu.memory_space<hbm>>
    %dma_wait3A_164 = arith.constant 0 : i32
    %dma_wait3A_165 = tpu.memref_slice %arg4[%add3A_148, %dma_wait3A_164] : memref<204800x64xf32, #tpu.memory_space<hbm>> -> memref<640x64xf32, #tpu.memory_space<hbm>>
    tpu.wait_dma2 semaphore(%arg19 : memref<!tpu.dma_semaphore, #tpu.memory_space<semaphore_mem>>) src(%arg15 : memref<640x64xf32, #tpu.memory_space<vmem>>) dst(%dma_wait3A_165 : memref<640x64xf32, #tpu.memory_space<hbm>>)
    %dma_wait3A_166 = arith.constant 0 : i32
    %dma_wait3A_167 = tpu.memref_slice %arg4[%add3A_157, %dma_wait3A_166] : memref<204800x64xf32, #tpu.memory_space<hbm>> -> memref<640x64xf32, #tpu.memory_space<hbm>>
    %dma_wait3A_168 = arith.constant 0 : i32
    %dma_wait3A_169 = tpu.memref_slice %arg4[%add3A_157, %dma_wait3A_168] : memref<204800x64xf32, #tpu.memory_space<hbm>> -> memref<640x64xf32, #tpu.memory_space<hbm>>
    tpu.wait_dma2 semaphore(%arg20 : memref<!tpu.dma_semaphore, #tpu.memory_space<semaphore_mem>>) src(%arg16 : memref<640x64xf32, #tpu.memory_space<vmem>>) dst(%dma_wait3A_169 : memref<640x64xf32, #tpu.memory_space<hbm>>)
    return
  }
}

module attributes {stable_mosaic.version = 14 : i64} {
  func.func @body(%arg0: i32, %arg1: memref<64x4096xf32, #tpu.memory_space<vmem>>, %arg2: memref<2048x128xf32, #tpu.memory_space<vmem>>) attributes {dimension_semantics = [#tpu.dimension_semantics<arbitrary>], iteration_bounds = array<i64: 245>, scalar_prefetch = 0 : i64, scratch_operands = 0 : i64, tpu.core_type = #tpu.core_type<tc>, window_params = [{transform_indices = @transform_0, window_bounds = array<i64: 64, 4096>}, {transform_indices = @transform_1, window_bounds = array<i64: 2048, 128>}]} {
    %get3A = arith.constant 0 : index
    %get3A_0 = arith.constant 0 : index
    %get3A_1 = vector.load %arg1[%get3A, %get3A_0] : memref<64x4096xf32, #tpu.memory_space<vmem>>, vector<64x4096xf32>
    %slice3A = vector.extract_strided_slice %get3A_1 {offsets = [0, 0], sizes = [64, 2048], strides = [1, 1]} : vector<64x4096xf32> to vector<64x2048xf32>
    %transpose3A = tpu.transpose %slice3A, [1, 0] : vector<64x2048xf32> -> vector<2048x64xf32>
    %slice3A_2 = vector.extract_strided_slice %get3A_1 {offsets = [0, 2048], sizes = [64, 2048], strides = [1, 1]} : vector<64x4096xf32> to vector<64x2048xf32>
    %transpose3A_3 = tpu.transpose %slice3A_2, [1, 0] : vector<64x2048xf32> -> vector<2048x64xf32>
    %concatenate3A = tpu.concatenate %transpose3A, %transpose3A_3 in 1 : vector<2048x64xf32>, vector<2048x64xf32> -> vector<2048x128xf32>
    %swap3A = arith.constant 0 : index
    %swap3A_4 = arith.constant 0 : index
    %swap3A_5 = vector.load %arg2[%swap3A, %swap3A_4] : memref<2048x128xf32, #tpu.memory_space<vmem>>, vector<2048x128xf32>
    tpu.vector_store %arg2[%swap3A, %swap3A_4], %concatenate3A {strides = array<i32>} : memref<2048x128xf32, #tpu.memory_space<vmem>>, vector<2048x128xf32>,
    return
  }
  func.func @transform_0(%arg0: i32) -> (i32, i32) {
    %c0_i32 = arith.constant 0 : i32
    %c0_i32_0 = arith.constant 0 : i32
    return %c0_i32, %arg0 : i32, i32
  }
  func.func @transform_1(%arg0: i32) -> (i32, i32) {
    %c0_i32 = arith.constant 0 : i32
    %c0_i32_0 = arith.constant 0 : i32
    return %arg0, %c0_i32 : i32, i32
  }
}

</mosaic_0001>

<sc_bundles>
// kernel: kernel.4.cloned.1.call-start
scs
__scs_entry_jumppad:
0x0: {  	(pc) =	sbr.rel $0x88, $3  }
0x1: {  	(tag) =	ssettag $0x0;
	lr =	simm.s32 $0x1  }
0x2: {  	[smem:$0x3F9F] =	sst lr;
	_ =	strace $0xD0000000  }
0x3: {  	_ = 	snop  }
0x4: {  	_ = 	snop  }
0x5: {  	_ = 	snop  }
0x6: {  	_ = 	snop  }
0x7: {  	_ = 	snop  }
__scs_overlays_trampoline_lowered:
0x8: {  	[smem:$0x3FAE] =	sst s0  }
0x9: {  	[smem:$0x3FAF] =	sst s1  }
0xa: {  	[smem:$0x3FB0] =	sst s2  }
0xb: {  	[smem:$0x3FB1] =	sst s3  }
0xc: {  	[smem:$0x3FB2] =	sst s4  }
0xd: {  	[smem:$0x3FB3] =	sst s5  }
0xe: {  	[smem:$0x3FB4] =	sst s6  }
0xf: {  	[smem:$0x3FB5] =	sst s7  }
0x10: {  	[smem:$0x3FB6] =	sst s8  }
0x11: {  	[smem:$0x3FB7] =	sst s9;
	s0 =	simm.s32 @!p0 $0x0  }
0x12: {  	s1 =	sld [smem:$0x3F9D];
	s0 =	simm.s32 @p0 $0x1  }
0x13: {  	[smem:$0x3FB8] =	sst s0;
	s0 =	simm.s32 @!p1 $0x0  }
0x14: {  	s2 =	sld [smem:$0x3F9C];
	s0 =	simm.s32 @p1 $0x1  }
0x15: {  	[smem:$0x3FB9] =	sst s0;
	s0 =	simm.s32 @!p2 $0x0  }
0x16: {  	s3 =	sld [smem:$0x3FDB];
	s0 =	simm.s32 @p2 $0x1  }
0x17: {  	s4 =	simm.s32 $0x1BF5;
	[smem:$0x3FBB] =	sst s0  }
0x18: {  	s0 =	sld [smem:$0x3F9E];
	_ =	swait.ge [sflag:s4], $0x0  }
0x19: {  	s7 =	sld [smem:$0x3F9F]  }
0x1a: {  	s8 =	sadd.s32 $0xFFFFE003, lr  }
0x1b: {  	s9 =	sadd.s32 $0xFFFFFEF7, lr;
	s5 =	simm.s32 $0xFFFFFFFF;
	p2 =	slt.u32 s8, $0xFFFFF086  }
0x1c: {  	p1 =	slt.u32 s9, $0xF7A;
	s5 =	simm.s32 @!p2 $0x0  }
0x1d: {  	s5 =	simm.s32 @p1 $0x1;
	p0 =	seq.s32 s7, s2  }
0x1e: {  	s7 =	smul.u32 @!p0 $0xF7A, s2;
	p2 =	seq.s32 @!p0 s5, $0x0  }
0x1f: {  	s9 =	smul.u32 $0xF7A, s1;
	s8 =	simm.s32 @!p0 $0x1BF5;
	p2 =	por !p2, p0  }
0x20: {  	[sflag:s8] =	ssyncset.s32 @!p0 $0xFFFFF086;
	s6 =	sadd.s32 @!p0 s3, s7;
	s7 =	simm.s32 @!p0 $0x108  }
0x21: {  	s3 =	sadd.s32 s3, s9;
	s6 =	sadd.s32 @!p0 $0x88, s6;
	s7 =	simm.s32 @p2 $0x1082  }
0x22: {  	[simem:s7], [sflag:s8] =	dma.local @!p0 [hbm:s6], $0xF7A  }
0x23: {  	s9 =	sor.u32 $0xD0000000, s2;
	s6 =	simm.s32 $0x108;
	_ =	swait.ge @!p0 [sflag:s8], $0x0  }
0x24: {  	s3 =	sadd.s32 $0x88, s3;
	s6 =	simm.s32 @!p1 $0x1082;
	[sflag:s4] =	ssyncset.s32 $0xFFFFF086  }
0x25: {  	[simem:s6], [sflag:s4] =	dma.local [hbm:s3], $0xF7A  }
0x26: {  	[smem:$0x3F9F] =	sst s1;
	(tag) =	ssettag s2;
	_ =	strace s9  }
0x27: {  	s1 =	sld [smem:$0x3FAF]  }
0x28: {  	s2 =	sld [smem:$0x3FB0]  }
0x29: {  	s4 =	sld [smem:$0x3FB2]  }
0x2a: {  	p0 =	seq.s32 s5, $0x0;
	s5 =	sld [smem:$0x3FB3]  }
0x2b: {  	s6 =	sld [smem:$0x3FB4]  }
0x2c: {  	s7 =	sld [smem:$0x3FB5]  }
0x2d: {  	s3 =	simm.s32 $0x108;
	s8 =	sld [smem:$0x3FB6]  }
0x2e: {  	s3 =	simm.s32 @!p0 $0x1082;
	s9 =	sld [smem:$0x3FB7]  }
0x2f: {  	lr =	sadd.s32 s0, s3;
	s0 =	sld [smem:$0x3FAE]  }
0x30: {  	s3 =	sld [smem:$0x3FB1]  }
0x31: {  	[smem:$0x3FBA] =	sst s10  }
0x32: {  	s10 =	sld [smem:$0x3FB8];
	_ =	sdelay $0x3  }
0x33: {  	p0 =	seq.s32 s10, $0x1;
	s10 =	sld [smem:$0x3FBA];
	_ =	sdelay $0x3  }
0x34: {  	[smem:$0x3FBA] =	sst s10  }
0x35: {  	s10 =	sld [smem:$0x3FB9];
	_ =	sdelay $0x3  }
0x36: {  	p1 =	seq.s32 s10, $0x1;
	s10 =	sld [smem:$0x3FBA];
	_ =	sdelay $0x3  }
0x37: {  	[smem:$0x3FBA] =	sst s10  }
0x38: {  	s10 =	sld [smem:$0x3FBB]  }
0x39: {  	_ = 	snop;
	(pc) =	sbr.ind lr, $3  }
0x3a: {  	_ = 	snop  }
0x3b: {  	_ = 	snop  }
0x3c: {  	p2 =	seq.s32 s10, $0x1;
	s10 =	sld [smem:$0x3FBA]  }
0x3d: {  	_ =	shalt  }
0x3e: {  	_ =	shalt  }
0x3f: {  	_ =	shalt  }
0x40: {  	_ =	shalt  }
0x41: {  	_ =	shalt  }
0x42: {  	_ =	shalt  }
0x43: {  	_ =	shalt  }
0x44: {  	_ =	shalt  }
0x45: {  	_ =	shalt  }
0x46: {  	_ =	shalt  }
0x47: {  	_ =	shalt  }
0x48: {  	_ =	shalt  }
0x49: {  	_ =	shalt  }
0x4a: {  	_ =	shalt  }
0x4b: {  	_ =	shalt  }
0x4c: {  	_ =	shalt  }
0x4d: {  	_ =	shalt  }
0x4e: {  	_ =	shalt  }
0x4f: {  	_ =	shalt  }
0x50: {  	_ =	shalt  }
0x51: {  	_ =	shalt  }
0x52: {  	_ =	shalt  }
0x53: {  	_ =	shalt  }
0x54: {  	_ =	shalt  }
0x55: {  	_ =	shalt  }
0x56: {  	_ =	shalt  }
0x57: {  	_ =	shalt  }
0x58: {  	_ =	shalt  }
0x59: {  	_ =	shalt  }
0x5a: {  	_ =	shalt  }
0x5b: {  	_ =	shalt  }
0x5c: {  	_ =	shalt  }
0x5d: {  	_ =	shalt  }
0x5e: {  	_ =	shalt  }
0x5f: {  	_ =	shalt  }
0x60: {  	_ =	shalt  }
0x61: {  	_ =	shalt  }
0x62: {  	_ =	shalt  }
0x63: {  	_ =	shalt  }
0x64: {  	_ =	shalt  }
0x65: {  	_ =	shalt  }
0x66: {  	_ =	shalt  }
0x67: {  	_ =	shalt  }
0x68: {  	_ =	shalt  }
0x69: {  	_ =	shalt  }
0x6a: {  	_ =	shalt  }
0x6b: {  	_ =	shalt  }
0x6c: {  	_ =	shalt  }
0x6d: {  	_ =	shalt  }
0x6e: {  	_ =	shalt  }
0x6f: {  	_ =	shalt  }
0x70: {  	_ =	shalt  }
0x71: {  	_ =	shalt  }
0x72: {  	_ =	shalt  }
0x73: {  	_ =	shalt  }
0x74: {  	_ =	shalt  }
0x75: {  	_ =	shalt  }
0x76: {  	_ =	shalt  }
0x77: {  	_ =	shalt  }
0x78: {  	_ =	shalt  }
0x79: {  	_ =	shalt  }
0x7a: {  	_ =	shalt  }
0x7b: {  	_ =	shalt  }
0x7c: {  	_ =	shalt  }
0x7d: {  	_ =	shalt  }
0x7e: {  	_ =	shalt  }
0x7f: {  	_ =	shalt  }
0x80: {  	_ =	shalt  }
0x81: {  	_ =	shalt  }
0x82: {  	_ =	shalt  }
0x83: {  	_ =	shalt  }
0x84: {  	_ =	shalt  }
0x85: {  	_ =	shalt  }
0x86: {  	_ =	shalt  }
0x87: {  	_ =	shalt  }
.Lfunc_end0:
.L_simem_size_0:
called_computation.1_lowered:
.L_overlay_start_0:
0x88: {  	s2 =	sld [smem:$0x3FD9]  }
0x89: {  	s3 =	sld [smem:$0x3FFE];
	_ =	sdelay $0x1  }
0x8a: {  	s1 =	srdreg.scid  }
0x8b: {  	s0 =	sand.u32 $0x1, s1  }
0x8c: {  	s17 =	sshll.u32 s0, $0xA;
	s2 =	sadd.s32 s3, s2  }
0x8d: {  	s2 =	sadd.s32 s2, s17  }
0x8e: {  	[smem:$0x3FC6] =	sst s2  }
0x8f: {  	_ = 	snop  }
0x90: {  	s2 =	sld [smem:$0x3FD0];
	(tm) =	ssettm $0x1  }
0x91: {  	s18 =	sld [smem:$0x3FFB];
	_ =	sdelay $0x3  }
0x92: {  	_ =	strace s18  }
0x93: {  	s3 =	sld [smem:$0x3FFC];
	_ =	sdelay $0x3  }
0x94: {  	_ =	strace s3  }
0x95: {  	s3 =	sld [smem:$0x3FFD];
	_ =	sdelay $0x3  }
0x96: {  	_ =	strace s3  }
0x97: {  	_ =	strace $0x8FFFFFFF  }
0x98: {  	s19 =	sld [smem:$0x3FDB];
	_ =	sdelay $0x1  }
0x99: {  	s4 =	simm.s32 $_scs_section_size  }
0x9a: {  	s5 =	simm.s32 $_size__tile_overlayer_lowered;
	s6 =	simm.s32 $_tile_overlayer_lowered  }
0x9b: {  	s22 =	simm.s32 $0x1BFF;
	s21 =	sshll.u32 s6, $0x1;
	s3 =	sadd.s32 s4, s19  }
0x9c: {  	s7 =	simm.s32 $0x0;
	s20 =	sshll.u32 s5, $0x1;
	s5 =	sadd.s32 s21, s3  }
0x9d: {  	[timem:s7], [sflag:s22] =	dma.local [hbm:s5], s20  }
0x9e: {  	_ =	swait.ge [sflag:s22], s20  }
0x9f: {  	s4 =	ssub.s32 $0x0, s20;
	[sflag:s22] =	ssyncset.done $0x0  }
0xa0: {  	[sflag:s22] =	ssyncadd.s32 s4;
	_ =	sdelay $0x1  }
0xa1: {  	s23 =	simm.s32 $0x1B8B  }
0xa2: {  	_ =	swait.ge [sflag:s23], $0x1  }
0xa3: {  	[sflag:s23] =	ssyncset.done $0x0  }
0xa4: {  	s25 =	simm.s32 $0x1B8E;
	s24 =	sld [smem:$0x3FFE];
	[sflag:s23] =	ssyncadd.s32 $0xFFFFFFFF  }
0xa5: {  	s26 =	simm.s32 $execute0_lowered;
	[smem:$0x3FD2] =	sst s25  }
0xa6: {  	s5 =	sshll.u32 s26, $0x1;
	_ =	strace $0x80000046;
	[dreg:$0x1] =	wrdreg $0xFFFFFFFF  }
0xa7: {  	s28 =	simm.s32 $_size_execute0_lowered;
	s3 =	sadd.s32 s3, s5;
	[dreg:$0x0] =	wrdreg $0x0  }
0xa8: {  	s5 =	sshll.u32 s28, $0x1;
	[dreg:$0x2] =	wrdreg s3  }
0xa9: {  	[dreg:$0x3] =	wrdreg s5  }
0xaa: {  	[dreg:$0x4] =	wrdreg $0xC0  }
0xab: {  	_ =	task [dreg:s7], $0x5FFFF  }
0xac: {  	[dreg:$0x1] =	wrdreg $0xFFFFFFFF  }
0xad: {  	[dreg:$0x0] =	wrdreg $0x60  }
0xae: {  	[dreg:$0x2] =	wrdreg s24  }
0xaf: {  	[dreg:$0x3] =	wrdreg s2  }
0xb0: {  	[dreg:$0x4] =	wrdreg $0x9  }
0xb1: {  	_ =	task.clear_ibuf [dreg:s7], $0x5FFFF;
	_ =	strace $0x90000046  }
0xb2: {  	s29 =	simm.s32 $0x9;
	_ =	strace $0x80000048  }
0xb3: {  	_ =	swait.ge [sflag:s29], $0x1  }
0xb4: {  	[sflag:s29] =	ssyncadd.s32 $0xFFFFFFFF  }
0xb5: {  	_ =	strace $0x90000048  }
0xb6: {  	_ =	sfence  }
0xb7: {  	s30 =	sld [smem:$0x0];
	_ =	sdelay $0x2  }
0xb8: {  	s31 =	sshll.u32 s1, $0xD;
	s1 =	sshrl.u32 s1, $0x2  }
0xb9: {  	s3 =	sand.u32 $0x4000, s31;
	s1 =	sadd.s32 s1, s30  }
0xba: {  	s0 =	sor.u32 s3, s0;
	s1 =	sshll.u32 s1, $0x11  }
0xbb: {  	s0 =	sor.u32 s1, s0  }
0xbc: {  	s0 =	sadd.s32 $0x8F2B, s0  }
0xbd: {  	[sflag:s0] =	ssyncadd.remote.s32 $0x1  }
0xbe: {  	_ =	sfence.sel $0xFFFF  }
0xbf: {  	[dreg:$0x0] =	wrdreg $0xFFFFFFFF;
	(pc) =	sbr.abs _section_cstart, $3  }
0xc0: {  	[dreg:$0x1] =	wrdreg $0xFFFFFFFF  }
0xc1: {  	_ =	task.clear_ibuf [dreg:s7], $0x2FFFF;
	_ =	strace $0x9FFFFFFF  }
0xc2: {  	(tm) =	ssettm $0x7FFFFFFF  }
0xc3: {  	_ =	shalt  }
tec
execute0_lowered:
.L_overlay_start_1:
0x0: {  	(tag) =	ssettag $0x1  }
0x1: {  	s0 =	srdreg.scid;
	s2 =	stileid.u32  }
0x2: {  	s1 =	sand.u32 $0x1, s0;
	s4 =	sshll.u32 s2, $0x1  }
0x3: {  	s14 =	rddreg [dreg:$0x0];
	s2 =	simm.s32 $0x0;
	s18 =	sor.u32 s1, s4  }
0x4: {  	[smem:$0x7FF] =	sst s2;
	s0 =	smul.u32 $0x1900, s18  }
0x5: {  	s31 =	rddreg [dreg:$0x1];
	s12 =	sadd.s32 $0x800, s14;
	_ =	strace $0x80000047  }
0x6: {  	s3 =	sshrl.u32 s0, $0x3;
	s21 =	sadd.s32 $0x280, s0;
	s23 =	sadd.s32 $0x500, s0  }
0x7: {  	s24 =	sadd.s32 $0x780, s0;
	s25 =	sadd.s32 $0xA00, s0;
	s26 =	sadd.s32 $0xC80, s0  }
0x8: {  	s28 =	sadd.s32 $0xF00, s0;
	s3 =	sadd.s32 s12, s3;
	s5 =	sshrl.u32 s21, $0x3  }
0x9: {  	s4 =	sshrl.u32 s23, $0x3;
	[dreg:$0x3] =	wrdreg s3;
	s3 =	sadd.s32 s12, s5  }
0xa: {  	s7 =	sshrl.u32 s24, $0x3;
	s6 =	sadd.s32 s12, s4;
	[dreg:$0x4] =	wrdreg s3  }
0xb: {  	s10 =	sshrl.u32 s26, $0x3;
	s8 =	sadd.s32 s12, s7;
	[dreg:$0x5] =	wrdreg s6  }
0xc: {  	s13 =	sshrl.u32 s28, $0x3;
	s11 =	sadd.s32 s12, s10;
	[dreg:$0x6] =	wrdreg s8  }
0xd: {  	s30 =	sadd.s32 $0x1400, s0;
	s15 =	sadd.s32 s12, s13;
	[dreg:$0x8] =	wrdreg s11  }
0xe: {  	s29 =	sadd.s32 $0x1180, s0;
	s17 =	sshrl.u32 s30, $0x3;
	[dreg:$0x9] =	wrdreg s15  }
0xf: {  	s9 =	sshrl.u32 s25, $0x3;
	s19 =	sadd.s32 s12, s17;
	s5 =	rddreg [dreg:$0x3]  }
0x10: {  	s16 =	sshrl.u32 s29, $0x3;
	s3 =	sadd.s32 s12, s9;
	[dreg:$0xb] =	wrdreg s19  }
0x11: {  	[dreg:$0x7] =	wrdreg s3;
	s3 =	sadd.s32 s12, s16  }
0x12: {  	[tilespmem:s2], [sflag:$0x5] =	stream.linear.gather [hbm4b:s5+s2], $0x280, $0x38;
	[tilespmem:$0x15900] =	vst v63  }
0x13: {  	[dreg:$0xa] =	wrdreg s3;
	s3 =	simm.s32 $0x5  }
0x14: {  	_ =	swait.ge [sflag:s3], $0x280  }
0x15: {  	[sflag:s3] =	ssyncset.done $0x0  }
0x16: {  	s4 =	simm.s32 $0x280;
	s20 =	rddreg [dreg:$0x4];
	[sflag:s3] =	ssyncadd.s32 $0xFFFFFD80  }
0x17: {  	[tilespmem:s4], [sflag:$0x5] =	stream.linear.gather [hbm4b:s20+s2], $0x280, $0x38;
	[tilespmem:$0x15900] =	vst v63  }
0x18: {  	_ =	swait.ge [sflag:s3], $0x280  }
0x19: {  	[sflag:s3] =	ssyncset.done $0x0  }
0x1a: {  	s5 =	simm.s32 $0x500;
	s6 =	rddreg [dreg:$0x5];
	[sflag:s3] =	ssyncadd.s32 $0xFFFFFD80  }
0x1b: {  	[tilespmem:s5], [sflag:$0x5] =	stream.linear.gather [hbm4b:s6+s2], $0x280, $0x38;
	[tilespmem:$0x15900] =	vst v63  }
0x1c: {  	_ =	swait.ge [sflag:s3], $0x280  }
0x1d: {  	[sflag:s3] =	ssyncset.done $0x0  }
0x1e: {  	s6 =	simm.s32 $0x780;
	s7 =	rddreg [dreg:$0x6];
	[sflag:s3] =	ssyncadd.s32 $0xFFFFFD80  }
0x1f: {  	[tilespmem:s6], [sflag:$0x5] =	stream.linear.gather [hbm4b:s7+s2], $0x280, $0x38;
	[tilespmem:$0x15900] =	vst v63  }
0x20: {  	_ =	swait.ge [sflag:s3], $0x280  }
0x21: {  	[sflag:s3] =	ssyncset.done $0x0  }
0x22: {  	s7 =	simm.s32 $0xA00;
	s8 =	rddreg [dreg:$0x7];
	[sflag:s3] =	ssyncadd.s32 $0xFFFFFD80  }
0x23: {  	[tilespmem:s7], [sflag:$0x5] =	stream.linear.gather [hbm4b:s8+s2], $0x280, $0x38;
	[tilespmem:$0x15900] =	vst v63  }
0x24: {  	_ =	swait.ge [sflag:s3], $0x280  }
0x25: {  	[sflag:s3] =	ssyncset.done $0x0  }
0x26: {  	s8 =	simm.s32 $0xC80;
	s9 =	rddreg [dreg:$0x8];
	[sflag:s3] =	ssyncadd.s32 $0xFFFFFD80  }
0x27: {  	[tilespmem:s8], [sflag:$0x5] =	stream.linear.gather [hbm4b:s9+s2], $0x280, $0x38;
	[tilespmem:$0x15900] =	vst v63  }
0x28: {  	_ =	swait.ge [sflag:s3], $0x280  }
0x29: {  	[sflag:s3] =	ssyncset.done $0x0  }
0x2a: {  	s9 =	simm.s32 $0xF00;
	s10 =	rddreg [dreg:$0x9];
	[sflag:s3] =	ssyncadd.s32 $0xFFFFFD80  }
0x2b: {  	[tilespmem:s9], [sflag:$0x5] =	stream.linear.gather [hbm4b:s10+s2], $0x280, $0x38;
	[tilespmem:$0x15900] =	vst v63  }
0x2c: {  	_ =	swait.ge [sflag:s3], $0x280  }
0x2d: {  	[sflag:s3] =	ssyncset.done $0x0  }
0x2e: {  	s10 =	simm.s32 $0x1180;
	s11 =	rddreg [dreg:$0xa];
	[sflag:s3] =	ssyncadd.s32 $0xFFFFFD80  }
0x2f: {  	[tilespmem:s10], [sflag:$0x5] =	stream.linear.gather [hbm4b:s11+s2], $0x280, $0x38;
	[tilespmem:$0x15900] =	vst v63  }
0x30: {  	_ =	swait.ge [sflag:s3], $0x280  }
0x31: {  	[sflag:s3] =	ssyncset.done $0x0  }
0x32: {  	s11 =	simm.s32 $0x1400;
	s13 =	rddreg [dreg:$0xb];
	[sflag:s3] =	ssyncadd.s32 $0xFFFFFD80  }
0x33: {  	[tilespmem:s11], [sflag:$0x5] =	stream.linear.gather [hbm4b:s13+s2], $0x280, $0x38;
	[tilespmem:$0x15900] =	vst v63  }
0x34: {  	s0 =	sadd.s32 $0x1680, s0;
	_ =	swait.ge [sflag:s3], $0x280  }
0x35: {  	s22 =	sshrl.u32 s0, $0x3;
	[sflag:s3] =	ssyncset.done $0x0  }
0x36: {  	s12 =	sadd.s32 s12, s22;
	s13 =	simm.s32 $0x1680;
	[sflag:s3] =	ssyncadd.s32 $0xFFFFFD80  }
0x37: {  	[tilespmem:s13], [sflag:$0x5] =	stream.linear.gather [hbm4b:s12+s2], $0x280, $0x38;
	[tilespmem:$0x15900] =	vst v63  }
0x38: {  	_ =	swait.ge [sflag:s3], $0x280  }
0x39: {  	[sflag:s3] =	ssyncset.done $0x0  }
0x3a: {  	s14 =	sadd.s32 $0x6C00, s14;
	s15 =	simm.s32 $0x1900;
	[sflag:s3] =	ssyncadd.s32 $0xFFFFFD80  }
0x3b: {  	[tilespmem:s15], [sflag:$0x1] =	stream.indirect.gather [hbm4b:s14+s4], $0x40, s2, s4, $0xb8;
	[tilespmem:$0x15900] =	vst v63  }
0x3c: {  	s17 =	simm.s32 $0x1;
	s16 =	simm.s32 $0xB900  }
0x3d: {  	[tilespmem:s16], [sflag:$0x2] =	stream.indirect.gather [hbm4b:s14+s4], $0x40, s4, s4, $0xb8;
	[tilespmem:$0x15900] =	vst v63  }
0x3e: {  	s18 =	smul.u32 $0xC800, s18;
	_ =	swait.ge [sflag:s17], $0xA000  }
0x3f: {  	[sflag:s17] =	ssyncset.done $0x0  }
0x40: {  	s18 =	sadd.s32 s31, s18;
	s19 =	simm.s32 $0x3;
	[sflag:s17] =	ssyncadd.s32 $0xFFFF6000  }
0x41: {  	[hbm4b:s18+s2] =	stream.linear.scatter [tilespmem:s15], [sflag:$0x3], $0xA000, $0x38;
	[tilespmem:$0x15900] =	vst v63  }
0x42: {  	_ =	swait.ge [sflag:s19], $0xA000  }
0x43: {  	[sflag:s19] =	ssyncset.done $0x0  }
0x44: {  	s20 =	simm.s32 $0x2;
	[sflag:s19] =	ssyncadd.s32 $0xFFFF6000  }
0x45: {  	[tilespmem:s15], [sflag:$0x1] =	stream.indirect.gather [hbm4b:s14+s4], $0x40, s5, s4, $0xb8;
	[tilespmem:$0x15900] =	vst v63  }
0x46: {  	_ =	swait.ge [sflag:s20], $0xA000  }
0x47: {  	s21 =	sshll.u32 s21, $0x3;
	[sflag:s20] =	ssyncset.done $0x0  }
0x48: {  	s21 =	sadd.s32 s31, s21;
	s22 =	simm.s32 $0x4;
	[sflag:s20] =	ssyncadd.s32 $0xFFFF6000  }
0x49: {  	[hbm4b:s21+s2] =	stream.linear.scatter [tilespmem:s16], [sflag:$0x4], $0xA000, $0x38;
	[tilespmem:$0x15900] =	vst v63  }
0x4a: {  	_ =	swait.ge [sflag:s22], $0xA000  }
0x4b: {  	[sflag:s22] =	ssyncset.done $0x0  }
0x4c: {  	[sflag:s22] =	ssyncadd.s32 $0xFFFF6000  }
0x4d: {  	[tilespmem:s16], [sflag:$0x2] =	stream.indirect.gather [hbm4b:s14+s4], $0x40, s6, s4, $0xb8;
	[tilespmem:$0x15900] =	vst v63  }
0x4e: {  	_ =	swait.ge [sflag:s17], $0xA000  }
0x4f: {  	s23 =	sshll.u32 s23, $0x3;
	[sflag:s17] =	ssyncset.done $0x0  }
0x50: {  	s23 =	sadd.s32 s31, s23;
	[sflag:s17] =	ssyncadd.s32 $0xFFFF6000  }
0x51: {  	[hbm4b:s23+s2] =	stream.linear.scatter [tilespmem:s15], [sflag:$0x3], $0xA000, $0x38;
	[tilespmem:$0x15900] =	vst v63  }
0x52: {  	_ =	swait.ge [sflag:s19], $0xA000  }
0x53: {  	[sflag:s19] =	ssyncset.done $0x0  }
0x54: {  	[sflag:s19] =	ssyncadd.s32 $0xFFFF6000  }
0x55: {  	[tilespmem:s15], [sflag:$0x1] =	stream.indirect.gather [hbm4b:s14+s4], $0x40, s7, s4, $0xb8;
	[tilespmem:$0x15900] =	vst v63  }
0x56: {  	_ =	swait.ge [sflag:s20], $0xA000  }
0x57: {  	s24 =	sshll.u32 s24, $0x3;
	[sflag:s20] =	ssyncset.done $0x0  }
0x58: {  	s24 =	sadd.s32 s31, s24;
	[sflag:s20] =	ssyncadd.s32 $0xFFFF6000  }
0x59: {  	[hbm4b:s24+s2] =	stream.linear.scatter [tilespmem:s16], [sflag:$0x4], $0xA000, $0x38;
	[tilespmem:$0x15900] =	vst v63  }
0x5a: {  	_ =	swait.ge [sflag:s22], $0xA000  }
0x5b: {  	[sflag:s22] =	ssyncset.done $0x0  }
0x5c: {  	[sflag:s22] =	ssyncadd.s32 $0xFFFF6000  }
0x5d: {  	[tilespmem:s16], [sflag:$0x2] =	stream.indirect.gather [hbm4b:s14+s4], $0x40, s8, s4, $0xb8;
	[tilespmem:$0x15900] =	vst v63  }
0x5e: {  	_ =	swait.ge [sflag:s17], $0xA000  }
0x5f: {  	s25 =	sshll.u32 s25, $0x3;
	[sflag:s17] =	ssyncset.done $0x0  }
0x60: {  	s25 =	sadd.s32 s31, s25;
	[sflag:s17] =	ssyncadd.s32 $0xFFFF6000  }
0x61: {  	[hbm4b:s25+s2] =	stream.linear.scatter [tilespmem:s15], [sflag:$0x3], $0xA000, $0x38;
	[tilespmem:$0x15900] =	vst v63  }
0x62: {  	_ =	swait.ge [sflag:s19], $0xA000  }
0x63: {  	[sflag:s19] =	ssyncset.done $0x0  }
0x64: {  	[sflag:s19] =	ssyncadd.s32 $0xFFFF6000  }
0x65: {  	[tilespmem:s15], [sflag:$0x1] =	stream.indirect.gather [hbm4b:s14+s4], $0x40, s9, s4, $0xb8;
	[tilespmem:$0x15900] =	vst v63  }
0x66: {  	_ =	swait.ge [sflag:s20], $0xA000  }
0x67: {  	s26 =	sshll.u32 s26, $0x3;
	[sflag:s20] =	ssyncset.done $0x0  }
0x68: {  	s26 =	sadd.s32 s31, s26;
	[sflag:s20] =	ssyncadd.s32 $0xFFFF6000  }
0x69: {  	[hbm4b:s26+s2] =	stream.linear.scatter [tilespmem:s16], [sflag:$0x4], $0xA000, $0x38;
	[tilespmem:$0x15900] =	vst v63  }
0x6a: {  	_ =	swait.ge [sflag:s22], $0xA000  }
0x6b: {  	[sflag:s22] =	ssyncset.done $0x0  }
0x6c: {  	[sflag:s22] =	ssyncadd.s32 $0xFFFF6000  }
0x6d: {  	[tilespmem:s16], [sflag:$0x2] =	stream.indirect.gather [hbm4b:s14+s4], $0x40, s10, s4, $0xb8;
	[tilespmem:$0x15900] =	vst v63  }
0x6e: {  	_ =	swait.ge [sflag:s17], $0xA000  }
0x6f: {  	s28 =	sshll.u32 s28, $0x3;
	[sflag:s17] =	ssyncset.done $0x0  }
0x70: {  	s28 =	sadd.s32 s31, s28;
	[sflag:s17] =	ssyncadd.s32 $0xFFFF6000  }
0x71: {  	[hbm4b:s28+s2] =	stream.linear.scatter [tilespmem:s15], [sflag:$0x3], $0xA000, $0x38;
	[tilespmem:$0x15900] =	vst v63  }
0x72: {  	_ =	swait.ge [sflag:s19], $0xA000  }
0x73: {  	[sflag:s19] =	ssyncset.done $0x0  }
0x74: {  	[sflag:s19] =	ssyncadd.s32 $0xFFFF6000  }
0x75: {  	[tilespmem:s15], [sflag:$0x1] =	stream.indirect.gather [hbm4b:s14+s4], $0x40, s11, s4, $0xb8;
	[tilespmem:$0x15900] =	vst v63  }
0x76: {  	_ =	swait.ge [sflag:s20], $0xA000  }
0x77: {  	s29 =	sshll.u32 s29, $0x3;
	[sflag:s20] =	ssyncset.done $0x0  }
0x78: {  	s29 =	sadd.s32 s31, s29;
	[sflag:s20] =	ssyncadd.s32 $0xFFFF6000  }
0x79: {  	[hbm4b:s29+s2] =	stream.linear.scatter [tilespmem:s16], [sflag:$0x4], $0xA000, $0x38;
	[tilespmem:$0x15900] =	vst v63  }
0x7a: {  	_ =	swait.ge [sflag:s22], $0xA000  }
0x7b: {  	[sflag:s22] =	ssyncset.done $0x0  }
0x7c: {  	s30 =	sshll.u32 s30, $0x3;
	[sflag:s22] =	ssyncadd.s32 $0xFFFF6000  }
0x7d: {  	[tilespmem:s16], [sflag:$0x2] =	stream.indirect.gather [hbm4b:s14+s4], $0x40, s13, s4, $0xb8;
	[tilespmem:$0x15900] =	vst v63  }
0x7e: {  	s0 =	sshll.u32 s0, $0x3;
	s30 =	sadd.s32 s31, s30;
	_ =	swait.ge [sflag:s17], $0xA000  }
0x7f: {  	s31 =	sadd.s32 s31, s0;
	s0 =	ssub.s32 $0x2, s1;
	[sflag:s17] =	ssyncset.done $0x0  }
0x80: {  	s1 =	sshrl.u32 s0, $0x1;
	[sflag:s17] =	ssyncadd.s32 $0xFFFF6000  }
0x81: {  	[hbm4b:s30+s2] =	stream.linear.scatter [tilespmem:s15], [sflag:$0x3], $0xA000, $0x38;
	[tilespmem:$0x15900] =	vst v63  }
0x82: {  	s0 =	ssub.s32 s0, s1;
	_ =	swait.ge [sflag:s20], $0xA000  }
0x83: {  	s0 =	smax.u32 s0, $0x1;
	[sflag:s20] =	ssyncset.done $0x0  }
0x84: {  	p0 =	sne.s32 s0, $0x1;
	[sflag:s20] =	ssyncadd.s32 $0xFFFF6000  }
0x85: {  	[hbm4b:s31+s2] =	stream.linear.scatter [tilespmem:s16], [sflag:$0x4], $0xA000, $0x38;
	[tilespmem:$0x15900] =	vst v63  }
.Ltmp0:
0x86: {  	_ =	swait.ge [sflag:s19], $0xA000;
	(pc) =	sbr.rel @!p0 .LBB2_2-.Ltmp0, $4  }
0x87: {  	[sflag:s19] =	ssyncset.done $0x0  }
0x88: {  	[sflag:s19] =	ssyncadd.s32 $0xFFFF6000  }
0x89: {  	_ =	swait.ge [sflag:s22], $0xA000  }
0x8a: {  	s1 =	sadd.s32 $0xFFFFFFFF, s0;
	[sflag:s22] =	ssyncset.done $0x0  }
.LBB2_1:
0x8b: {  	s0 =	rddreg [dreg:$0x3];
	[sflag:s22] =	ssyncadd.s32 $0xFFFF6000  }
0x8c: {  	[tilespmem:s2], [sflag:$0x5] =	stream.linear.gather [hbm4b:s0+s2], $0x280, $0x38;
	[tilespmem:$0x15900] =	vst v63  }
0x8d: {  	_ =	swait.ge [sflag:s3], $0x280  }
0x8e: {  	[sflag:s3] =	ssyncset.done $0x0  }
0x8f: {  	s0 =	rddreg [dreg:$0x4];
	[sflag:s3] =	ssyncadd.s32 $0xFFFFFD80  }
0x90: {  	[tilespmem:s4], [sflag:$0x5] =	stream.linear.gather [hbm4b:s0+s2], $0x280, $0x38;
	[tilespmem:$0x15900] =	vst v63  }
0x91: {  	_ =	swait.ge [sflag:s3], $0x280  }
0x92: {  	[sflag:s3] =	ssyncset.done $0x0  }
0x93: {  	s0 =	rddreg [dreg:$0x5];
	[sflag:s3] =	ssyncadd.s32 $0xFFFFFD80  }
0x94: {  	[tilespmem:s5], [sflag:$0x5] =	stream.linear.gather [hbm4b:s0+s2], $0x280, $0x38;
	[tilespmem:$0x15900] =	vst v63  }
0x95: {  	_ =	swait.ge [sflag:s3], $0x280  }
0x96: {  	[sflag:s3] =	ssyncset.done $0x0  }
0x97: {  	s0 =	rddreg [dreg:$0x6];
	[sflag:s3] =	ssyncadd.s32 $0xFFFFFD80  }
0x98: {  	[tilespmem:s6], [sflag:$0x5] =	stream.linear.gather [hbm4b:s0+s2], $0x280, $0x38;
	[tilespmem:$0x15900] =	vst v63  }
0x99: {  	_ =	swait.ge [sflag:s3], $0x280  }
0x9a: {  	[sflag:s3] =	ssyncset.done $0x0  }
0x9b: {  	s0 =	rddreg [dreg:$0x7];
	[sflag:s3] =	ssyncadd.s32 $0xFFFFFD80  }
0x9c: {  	[tilespmem:s7], [sflag:$0x5] =	stream.linear.gather [hbm4b:s0+s2], $0x280, $0x38;
	[tilespmem:$0x15900] =	vst v63  }
0x9d: {  	_ =	swait.ge [sflag:s3], $0x280  }
0x9e: {  	[sflag:s3] =	ssyncset.done $0x0  }
0x9f: {  	s0 =	rddreg [dreg:$0x8];
	[sflag:s3] =	ssyncadd.s32 $0xFFFFFD80  }
0xa0: {  	[tilespmem:s8], [sflag:$0x5] =	stream.linear.gather [hbm4b:s0+s2], $0x280, $0x38;
	[tilespmem:$0x15900] =	vst v63  }
0xa1: {  	_ =	swait.ge [sflag:s3], $0x280  }
0xa2: {  	[sflag:s3] =	ssyncset.done $0x0  }
0xa3: {  	s0 =	rddreg [dreg:$0x9];
	[sflag:s3] =	ssyncadd.s32 $0xFFFFFD80  }
0xa4: {  	[tilespmem:s9], [sflag:$0x5] =	stream.linear.gather [hbm4b:s0+s2], $0x280, $0x38;
	[tilespmem:$0x15900] =	vst v63  }
0xa5: {  	_ =	swait.ge [sflag:s3], $0x280  }
0xa6: {  	[sflag:s3] =	ssyncset.done $0x0  }
0xa7: {  	s0 =	rddreg [dreg:$0xa];
	[sflag:s3] =	ssyncadd.s32 $0xFFFFFD80  }
0xa8: {  	[tilespmem:s10], [sflag:$0x5] =	stream.linear.gather [hbm4b:s0+s2], $0x280, $0x38;
	[tilespmem:$0x15900] =	vst v63  }
0xa9: {  	_ =	swait.ge [sflag:s3], $0x280  }
0xaa: {  	[sflag:s3] =	ssyncset.done $0x0  }
0xab: {  	s0 =	rddreg [dreg:$0xb];
	[sflag:s3] =	ssyncadd.s32 $0xFFFFFD80  }
0xac: {  	[tilespmem:s11], [sflag:$0x5] =	stream.linear.gather [hbm4b:s0+s2], $0x280, $0x38;
	[tilespmem:$0x15900] =	vst v63  }
0xad: {  	_ =	swait.ge [sflag:s3], $0x280  }
0xae: {  	[sflag:s3] =	ssyncset.done $0x0  }
0xaf: {  	[sflag:s3] =	ssyncadd.s32 $0xFFFFFD80  }
0xb0: {  	[tilespmem:s13], [sflag:$0x5] =	stream.linear.gather [hbm4b:s12+s2], $0x280, $0x38;
	[tilespmem:$0x15900] =	vst v63  }
0xb1: {  	_ =	swait.ge [sflag:s3], $0x280  }
0xb2: {  	[sflag:s3] =	ssyncset.done $0x0  }
0xb3: {  	[sflag:s3] =	ssyncadd.s32 $0xFFFFFD80  }
0xb4: {  	[tilespmem:s15], [sflag:$0x1] =	stream.indirect.gather [hbm4b:s14+s4], $0x40, s2, s4, $0xb8;
	[tilespmem:$0x15900] =	vst v63  }
0xb5: {  	_ = 	snop  }
0xb6: {  	[tilespmem:s16], [sflag:$0x2] =	stream.indirect.gather [hbm4b:s14+s4], $0x40, s4, s4, $0xb8;
	[tilespmem:$0x15900] =	vst v63  }
0xb7: {  	_ =	swait.ge [sflag:s17], $0xA000  }
0xb8: {  	[sflag:s17] =	ssyncset.done $0x0  }
0xb9: {  	[sflag:s17] =	ssyncadd.s32 $0xFFFF6000  }
0xba: {  	[hbm4b:s18+s2] =	stream.linear.scatter [tilespmem:s15], [sflag:$0x3], $0xA000, $0x38;
	[tilespmem:$0x15900] =	vst v63  }
0xbb: {  	_ =	swait.ge [sflag:s19], $0xA000  }
0xbc: {  	[sflag:s19] =	ssyncset.done $0x0  }
0xbd: {  	[sflag:s19] =	ssyncadd.s32 $0xFFFF6000  }
0xbe: {  	[tilespmem:s15], [sflag:$0x1] =	stream.indirect.gather [hbm4b:s14+s4], $0x40, s5, s4, $0xb8;
	[tilespmem:$0x15900] =	vst v63  }
0xbf: {  	_ =	swait.ge [sflag:s20], $0xA000  }
0xc0: {  	[sflag:s20] =	ssyncset.done $0x0  }
0xc1: {  	[sflag:s20] =	ssyncadd.s32 $0xFFFF6000  }
0xc2: {  	[hbm4b:s21+s2] =	stream.linear.scatter [tilespmem:s16], [sflag:$0x4], $0xA000, $0x38;
	[tilespmem:$0x15900] =	vst v63  }
0xc3: {  	_ =	swait.ge [sflag:s22], $0xA000  }
0xc4: {  	[sflag:s22] =	ssyncset.done $0x0  }
0xc5: {  	[sflag:s22] =	ssyncadd.s32 $0xFFFF6000  }
0xc6: {  	[tilespmem:s16], [sflag:$0x2] =	stream.indirect.gather [hbm4b:s14+s4], $0x40, s6, s4, $0xb8;
	[tilespmem:$0x15900] =	vst v63  }
0xc7: {  	_ =	swait.ge [sflag:s17], $0xA000  }
0xc8: {  	[sflag:s17] =	ssyncset.done $0x0  }
0xc9: {  	[sflag:s17] =	ssyncadd.s32 $0xFFFF6000  }
0xca: {  	[hbm4b:s23+s2] =	stream.linear.scatter [tilespmem:s15], [sflag:$0x3], $0xA000, $0x38;
	[tilespmem:$0x15900] =	vst v63  }
0xcb: {  	_ =	swait.ge [sflag:s19], $0xA000  }
0xcc: {  	[sflag:s19] =	ssyncset.done $0x0  }
0xcd: {  	[sflag:s19] =	ssyncadd.s32 $0xFFFF6000  }
0xce: {  	[tilespmem:s15], [sflag:$0x1] =	stream.indirect.gather [hbm4b:s14+s4], $0x40, s7, s4, $0xb8;
	[tilespmem:$0x15900] =	vst v63  }
0xcf: {  	_ =	swait.ge [sflag:s20], $0xA000  }
0xd0: {  	[sflag:s20] =	ssyncset.done $0x0  }
0xd1: {  	[sflag:s20] =	ssyncadd.s32 $0xFFFF6000  }
0xd2: {  	[hbm4b:s24+s2] =	stream.linear.scatter [tilespmem:s16], [sflag:$0x4], $0xA000, $0x38;
	[tilespmem:$0x15900] =	vst v63  }
0xd3: {  	_ =	swait.ge [sflag:s22], $0xA000  }
0xd4: {  	[sflag:s22] =	ssyncset.done $0x0  }
0xd5: {  	[sflag:s22] =	ssyncadd.s32 $0xFFFF6000  }
0xd6: {  	[tilespmem:s16], [sflag:$0x2] =	stream.indirect.gather [hbm4b:s14+s4], $0x40, s8, s4, $0xb8;
	[tilespmem:$0x15900] =	vst v63  }
0xd7: {  	_ =	swait.ge [sflag:s17], $0xA000  }
0xd8: {  	[sflag:s17] =	ssyncset.done $0x0  }
0xd9: {  	[sflag:s17] =	ssyncadd.s32 $0xFFFF6000  }
0xda: {  	[hbm4b:s25+s2] =	stream.linear.scatter [tilespmem:s15], [sflag:$0x3], $0xA000, $0x38;
	[tilespmem:$0x15900] =	vst v63  }
0xdb: {  	_ =	swait.ge [sflag:s19], $0xA000  }
0xdc: {  	[sflag:s19] =	ssyncset.done $0x0  }
0xdd: {  	[sflag:s19] =	ssyncadd.s32 $0xFFFF6000  }
0xde: {  	[tilespmem:s15], [sflag:$0x1] =	stream.indirect.gather [hbm4b:s14+s4], $0x40, s9, s4, $0xb8;
	[tilespmem:$0x15900] =	vst v63  }
0xdf: {  	_ =	swait.ge [sflag:s20], $0xA000  }
0xe0: {  	[sflag:s20] =	ssyncset.done $0x0  }
0xe1: {  	[sflag:s20] =	ssyncadd.s32 $0xFFFF6000  }
0xe2: {  	[hbm4b:s26+s2] =	stream.linear.scatter [tilespmem:s16], [sflag:$0x4], $0xA000, $0x38;
	[tilespmem:$0x15900] =	vst v63  }
0xe3: {  	_ =	swait.ge [sflag:s22], $0xA000  }
0xe4: {  	[sflag:s22] =	ssyncset.done $0x0  }
0xe5: {  	[sflag:s22] =	ssyncadd.s32 $0xFFFF6000  }
0xe6: {  	[tilespmem:s16], [sflag:$0x2] =	stream.indirect.gather [hbm4b:s14+s4], $0x40, s10, s4, $0xb8;
	[tilespmem:$0x15900] =	vst v63  }
0xe7: {  	_ =	swait.ge [sflag:s17], $0xA000  }
0xe8: {  	[sflag:s17] =	ssyncset.done $0x0  }
0xe9: {  	[sflag:s17] =	ssyncadd.s32 $0xFFFF6000  }
0xea: {  	[hbm4b:s28+s2] =	stream.linear.scatter [tilespmem:s15], [sflag:$0x3], $0xA000, $0x38;
	[tilespmem:$0x15900] =	vst v63  }
0xeb: {  	_ =	swait.ge [sflag:s19], $0xA000  }
0xec: {  	[sflag:s19] =	ssyncset.done $0x0  }
0xed: {  	[sflag:s19] =	ssyncadd.s32 $0xFFFF6000  }
0xee: {  	[tilespmem:s15], [sflag:$0x1] =	stream.indirect.gather [hbm4b:s14+s4], $0x40, s11, s4, $0xb8;
	[tilespmem:$0x15900] =	vst v63  }
0xef: {  	_ =	swait.ge [sflag:s20], $0xA000  }
0xf0: {  	[sflag:s20] =	ssyncset.done $0x0  }
0xf1: {  	[sflag:s20] =	ssyncadd.s32 $0xFFFF6000  }
0xf2: {  	[hbm4b:s29+s2] =	stream.linear.scatter [tilespmem:s16], [sflag:$0x4], $0xA000, $0x38;
	[tilespmem:$0x15900] =	vst v63  }
0xf3: {  	_ =	swait.ge [sflag:s22], $0xA000  }
0xf4: {  	[sflag:s22] =	ssyncset.done $0x0  }
0xf5: {  	[sflag:s22] =	ssyncadd.s32 $0xFFFF6000  }
0xf6: {  	[tilespmem:s16], [sflag:$0x2] =	stream.indirect.gather [hbm4b:s14+s4], $0x40, s13, s4, $0xb8;
	[tilespmem:$0x15900] =	vst v63  }
0xf7: {  	_ =	swait.ge [sflag:s17], $0xA000  }
0xf8: {  	[sflag:s17] =	ssyncset.done $0x0  }
0xf9: {  	[sflag:s17] =	ssyncadd.s32 $0xFFFF6000  }
0xfa: {  	[hbm4b:s30+s2] =	stream.linear.scatter [tilespmem:s15], [sflag:$0x3], $0xA000, $0x38;
	[tilespmem:$0x15900] =	vst v63  }
0xfb: {  	_ =	swait.ge [sflag:s20], $0xA000  }
0xfc: {  	[sflag:s20] =	ssyncset.done $0x0  }
0xfd: {  	p0 =	sne.s32 s1, $0x1;
	[sflag:s20] =	ssyncadd.s32 $0xFFFF6000  }
0xfe: {  	[hbm4b:s31+s2] =	stream.linear.scatter [tilespmem:s16], [sflag:$0x4], $0xA000, $0x38;
	[tilespmem:$0x15900] =	vst v63  }
.Ltmp1:
0xff: {  	_ =	swait.ge [sflag:s19], $0xA000;
	(pc) =	sbr.rel @p0 .LBB2_1-.Ltmp1, $4  }
0x100: {  	[sflag:s19] =	ssyncset.done $0x0  }
0x101: {  	[sflag:s19] =	ssyncadd.s32 $0xFFFF6000  }
0x102: {  	_ =	swait.ge [sflag:s22], $0xA000  }
0x103: {  	s1 =	sadd.s32 $0xFFFFFFFF, s1;
	[sflag:s22] =	ssyncset.done $0x0  }
.LBB2_2:
0x104: {  	[sflag:s22] =	ssyncadd.s32 $0xFFFF6000  }
0x105: {  	_ =	sfence.sel $0x180000  }
0x106: {  	[bflag:$0x0] =	sbarrier.arrive $0xFFFF  }
0x107: {  	_ =	strace $0x90000047  }
0x108: {  	s0 =	stileid.u32;
	[bflag:$0x2] =	sbarrier.arrive $0xFFFF  }
0x109: {  	p0 =	sne.s32 s0, $0x0;
	s0 =	rddreg [dreg:$0x2]  }
0x10a: {  	s0 =	sadd.s32 @!p0 $0x100000, s0  }
0x10b: {  	[sflag:s0] =	ssyncadd.tile.s32 @!p0 $0x1;
	_ =	shalt  }
.Lfunc_end2:
_tile_overlayer_lowered:
.L_overlay_start_2:
0x10c: {  	(tag) =	ssettag $0x2  }
0x10d: {  	s0 =	rddreg [dreg:$0x0];
	s2 =	stileid.u32  }
0x10e: {  	s1 =	rddreg [dreg:$0x1];
	p0 =	sne.s32 s2, $0x0  }
0x10f: {  	s3 =	rddreg [dreg:$0x2];
	[bflag:$0x3] =	sbarrier.arrive $0xFFFF;
	s2 =	simm.s32 @!p0 $0x1C05  }
0x110: {  	[timem:s3], [sflag:s2] =	dma.local @!p0 [hbm:s0], s1  }
0x111: {  	s0 =	simm.s32 @!p0 $0x5  }
0x112: {  	_ =	swait.ge @!p0 [sflag:s0], s1  }
0x113: {  	s1 =	ssub.s32 @!p0 $0x0, s1;
	[sflag:s0] =	ssyncset.done @!p0 $0x0  }
0x114: {  	[sflag:s0] =	ssyncadd.s32 @!p0 s1  }
0x115: {  	[bflag:$0x3] =	sbarrier.arrive $0xFFFF  }
0x116: {  	_ =	shalt  }

// kernel: sparse-core-data-format-call.cloned.1.call-start
scs
called_computation_lowered:
.L_overlay_start_0:
0x0: {  	s2 =	sld [smem:$0x3FD9]  }
0x1: {  	s3 =	sld [smem:$0x3FFE];
	_ =	sdelay $0x1  }
0x2: {  	s1 =	srdreg.scid  }
0x3: {  	s0 =	sand.u32 $0x1, s1  }
0x4: {  	s18 =	sshll.u32 s0, $0xA;
	s2 =	sadd.s32 s3, s2  }
0x5: {  	s2 =	sadd.s32 s2, s18  }
0x6: {  	[smem:$0x3FC6] =	sst s2  }
0x7: {  	_ = 	snop  }
0x8: {  	s2 =	sld [smem:$0x3FD0];
	(tm) =	ssettm $0x1  }
0x9: {  	s19 =	sld [smem:$0x3FFB];
	_ =	sdelay $0x3  }
0xa: {  	_ =	strace s19  }
0xb: {  	s3 =	sld [smem:$0x3FFC];
	_ =	sdelay $0x3  }
0xc: {  	_ =	strace s3  }
0xd: {  	s3 =	sld [smem:$0x3FFD];
	_ =	sdelay $0x3  }
0xe: {  	_ =	strace s3  }
0xf: {  	_ =	strace $0x8FFFFFFF  }
0x10: {  	s20 =	sld [smem:$0x3FDB];
	_ =	sdelay $0x1  }
0x11: {  	s4 =	simm.s32 $_scs_section_size  }
0x12: {  	s5 =	simm.s32 $_size__tile_overlayer_lowered;
	s6 =	simm.s32 $_tile_overlayer_lowered  }
0x13: {  	s23 =	simm.s32 $0x1BFF;
	s22 =	sshll.u32 s6, $0x1;
	s3 =	sadd.s32 s4, s20  }
0x14: {  	s7 =	simm.s32 $0x0;
	s21 =	sshll.u32 s5, $0x1;
	s5 =	sadd.s32 s22, s3  }
0x15: {  	[timem:s7], [sflag:s23] =	dma.local [hbm:s5], s21  }
0x16: {  	_ =	swait.ge [sflag:s23], s21  }
0x17: {  	s4 =	ssub.s32 $0x0, s21;
	[sflag:s23] =	ssyncset.done $0x0  }
0x18: {  	[sflag:s23] =	ssyncadd.s32 s4;
	_ =	sdelay $0x1  }
0x19: {  	s24 =	simm.s32 $0x1B8B  }
0x1a: {  	_ =	swait.ge [sflag:s24], $0x1  }
0x1b: {  	[sflag:s24] =	ssyncset.done $0x0  }
0x1c: {  	s26 =	simm.s32 $0x1B8E;
	s25 =	sld [smem:$0x3FFE];
	[sflag:s24] =	ssyncadd.s32 $0xFFFFFFFF  }
0x1d: {  	s27 =	simm.s32 $execute0_lowered;
	[smem:$0x3FD2] =	sst s26  }
0x1e: {  	s5 =	sshll.u32 s27, $0x1;
	_ =	strace $0x80000049;
	[dreg:$0x1] =	wrdreg $0xFFFFFFFF  }
0x1f: {  	s28 =	simm.s32 $_size_execute0_lowered;
	s3 =	sadd.s32 s3, s5;
	[dreg:$0x0] =	wrdreg $0x0  }
0x20: {  	s5 =	sshll.u32 s28, $0x1;
	[dreg:$0x2] =	wrdreg s3  }
0x21: {  	[dreg:$0x3] =	wrdreg s5  }
0x22: {  	[dreg:$0x4] =	wrdreg $0xC0  }
0x23: {  	_ =	task [dreg:s7], $0x5FFFF  }
0x24: {  	[dreg:$0x1] =	wrdreg $0xFFFFFFFF  }
0x25: {  	[dreg:$0x0] =	wrdreg $0x60  }
0x26: {  	[dreg:$0x2] =	wrdreg s25  }
0x27: {  	[dreg:$0x3] =	wrdreg s2  }
0x28: {  	[dreg:$0x4] =	wrdreg $0x9  }
0x29: {  	_ =	task.clear_ibuf [dreg:s7], $0x5FFFF;
	_ =	strace $0x90000049  }
0x2a: {  	s29 =	simm.s32 $0x9;
	_ =	strace $0x8000004B  }
0x2b: {  	_ =	swait.ge [sflag:s29], $0x1  }
0x2c: {  	[sflag:s29] =	ssyncadd.s32 $0xFFFFFFFF  }
0x2d: {  	_ =	strace $0x9000004B  }
0x2e: {  	_ =	sfence  }
0x2f: {  	s30 =	sld [smem:$0x0];
	_ =	sdelay $0x2  }
0x30: {  	s31 =	sshll.u32 s1, $0xD;
	s1 =	sshrl.u32 s1, $0x2  }
0x31: {  	s3 =	sand.u32 $0x4000, s31;
	s1 =	sadd.s32 s1, s30  }
0x32: {  	s0 =	sor.u32 s3, s0;
	s1 =	sshll.u32 s1, $0x11  }
0x33: {  	s0 =	sor.u32 s1, s0  }
0x34: {  	s0 =	sadd.s32 $0x8F2B, s0  }
0x35: {  	[sflag:s0] =	ssyncadd.remote.s32 $0x1  }
0x36: {  	_ =	sfence.sel $0xFFFF  }
0x37: {  	[dreg:$0x0] =	wrdreg $0xFFFFFFFF;
	(pc) =	sbr.abs _section_cstart, $3  }
0x38: {  	[dreg:$0x1] =	wrdreg $0xFFFFFFFF  }
0x39: {  	_ =	task.clear_ibuf [dreg:s7], $0x2FFFF;
	_ =	strace $0x9FFFFFFF  }
0x3a: {  	(tm) =	ssettm $0x7FFFFFFF  }
0x3b: {  	_ =	shalt  }
tec
execute0_lowered:
.L_overlay_start_1:
0x0: {  	(tag) =	ssettag $0x1  }
0x1: {  	s0 =	srdreg.scid  }
0x2: {  	s1 =	sshll.u32 s0, $0x4  }
0x3: {  	s0 =	stileid.u32;
	s1 =	sand.u32 $0x10, s1  }
0x4: {  	s1 =	sor.u32 s0, s1  }
0x5: {  	s6 =	rddreg [dreg:$0x0];
	s4 =	simm.s32 $0x1;
	s2 =	sshll.u32 s1, $0x7  }
0x6: {  	s7 =	simm.s32 $0x2;
	s12 =	simm.s32 $0x0;
	s1 =	ssub.s32 $0x1000, s2  }
0x7: {  	s8 =	simm.s32 $0x8000;
	s13 =	simm.s32 $0x0;
	s3 =	sand.u32 $0xF80, s1  }
0x8: {  	s9 =	simm.s32 $0x0;
	s5 =	sshrl.u32 s1, $0xC;
	p0 =	sne.s32 s3, $0x0  }
.Ltmp0:
0x9: {  	s1 =	rddreg [dreg:$0x2];
	s4 =	simm.s32 @!p0 $0x0;
	(pc) =	sbr.rel .LBB1_1-.Ltmp0, $4  }
0xa: {  	s11 =	simm.s32 $0x0;
	s3 =	rddreg [dreg:$0x1];
	s5 =	sadd.s32 s4, s5  }
0xb: {  	_ =	strace $0x8000004A;
	s4 =	simm.s32 $0x1;
	s5 =	smul.u32 $0x32, s5  }
0xc: {  	s6 =	sadd.s32 $0x800, s6;
	s10 =	smov.u32 s2;
	[sflag:s4] =	ssyncpa.u1 $0x0  }
0xd: {  	p0 =	por $0x0, $0x0;
	[sflag:s7] =	ssyncpa.u1 $0x0;
	s7 =	sor.u32 $0x1, s5  }
.LBB1_4:
0xe: {  	s16 =	sshll.u32 s13, $0x3;
	s17 =	sand.u32 $0x78, s13  }
0xf: {  	s30 =	sand.u32 $0x7E00, s13;
	s12 =	sshll.u32 s12, $0xF;
	s16 =	sand.u32 $0xC00, s16  }
0x10: {  	[tilespmem:s15+$0x810 ss:$0x81] =	vst.msk $0xffff, v2;
	s31 =	sand.u32 $0x7, s13;
	s16 =	sor.u32 s17, s16;
	s17 =	sadd.s32 s3, s30  }
0x11: {  	[tilespmem:s15+$0x1020 ss:$0x81] =	vst.msk $0xffff, v0;
	s13 =	sshll.u32 s31, $0x12;
	s12 =	sadd.s32 s12, s17;
	s16 =	sshrl.u32 s16, $0x3  }
0x12: {  	[tilespmem:s15+$0x0 ss:$0x81] =	vst.msk $0xffff, v1;
	s13 =	sor.u32 $0x400, s13;
	s12 =	sadd.s32 s16, s12  }
0x13: {  	[hbm4b:s12+s13] =	stream.strided.scatter [tilespmem:s14], [sflag:$0x2], $0x2000, s8, s13, $0x20;
	[tilespmem:$0x8080] =	vst v63  }
.LBB1_5:
0x14: {  	s14 =	sadd.s32 $0x1, s9  }
0x15: {  	s12 =	sadd.s32 $0x1000, s10;
	s16 =	smov.u32 s10;
	p2 =	sgt.s32 s14, $0x31  }
0x16: {  	s16 =	smov.u32 @p2 s12  }
0x17: {  	s14 =	simm.s32 @p2 $0x0;
	p2 =	sgt.s32 s16, $0xFFF  }
0x18: {  	s16 =	smov.u32 @p2 s2;
	p2 =	sne.s32 s11, s7  }
.Ltmp1:
0x19: {  	p1 =	slt.u32 s11, $0x2;
	(pc) =	sbr.rel @!p2 .LBB1_6-.Ltmp1, $4  }
0x1a: {  	s15 =	simm.s32 @!p1 $0x2  }
0x1b: {  	s13 =	smov.u32 s10;
	p0 =	por !p0, !p0;
	_ =	swait.ge @!p1 [sflag:s15], $0x2000  }
0x1c: {  	s12 =	smov.u32 s9;
	[sflag:s15] =	ssyncset.done @!p1 $0x0;
	s9 =	smov.u32 s14  }
0x1d: {  	s11 =	sadd.s32 $0x1, s11;
	[sflag:s15] =	ssyncadd.s32 @!p1 $0xFFFFE000;
	s10 =	smov.u32 s16  }
.LBB1_1:
0x1e: {  	p1 =	sge.u32 s11, s5  }
0x1f: {  	s14 =	sand.u32 @!p1 $0x1FFFFFF, s9  }
0x20: {  	s15 =	smulhi.u32 @!p1 $0x4924925, s14;
	_ =	sdelay $0x1  }
0x21: {  	s15 =	smul.u32 @!p1 $0x38, s15  }
0x22: {  	s16 =	sxor.u32 @!p1 $0xFFFFFFFF, s11;
	s17 =	smul.u32 @!p1 $0x380, s10  }
0x23: {  	s31 =	sadd.s32 $0xFFFFFFFF, s11;
	s16 =	sshll.u32 @!p1 s16, $0xD;
	s14 =	ssub.s32 @!p1 s14, s15  }
0x24: {  	s15 =	sand.u32 @!p1 $0x2000, s16;
	s16 =	sadd.s32 @!p1 s6, s17;
	s14 =	sshll.u32 @!p1 s14, $0x4  }
0x25: {  	s17 =	simm.s32 @!p1 $0x1C00;
	s14 =	sadd.s32 @!p1 s14, s16;
	s16 =	simm.s32 @!p1 $0x40  }
0x26: {  	[tilespmem:s15], [sflag:$0x1] =	stream.strided.gather @!p1 [hbm4b:s14+s16], $0x2000, s17, s16, $0x38;
	[tilespmem:$0x8080] =	vst v63  }
0x27: {  	p1 =	sge.u32 s31, s5  }
.Ltmp2:
0x28: {  	_ = 	snop;
	(pc) =	sbr.rel @p1 .LBB1_5-.Ltmp2, $1  }
0x29: {  	_ =	sdelay $0x3  }
0x2a: {  	s14 =	simm.s32 $0x1  }
0x2b: {  	_ =	swait.ge [sflag:s4], $0x2000;
	s14 =	simm.s32 @!p0 $0x0  }
0x2c: {  	[sflag:s4] =	ssyncset.done $0x0;
	s15 =	sshll.u32 s14, $0xD  }
0x2d: {  	[sflag:s4] =	ssyncadd.s32 $0xFFFFE000;
	s18 =	sor.u32 $0x20, s15  }
0x2e: {  	s14 =	smul.u32 $0x8100, s14;
	v3 =	vld [tilespmem:s18+$0x10]  }
0x2f: {  	s30 =	sand.u32 $0x1, s11;
	v2 =	vld [tilespmem:s18+$0xFFFFFFF0]  }
0x30: {  	s15 =	smul.u32 $0x8100, s30;
	s14 =	sshrl.u32 s14, $0x2;
	v0 =	vld [tilespmem:s18+$0x0]  }
0x31: {  	v1 =	vld [tilespmem:s18+$0xFFFFFFE0];
	s16 =	sor.u32 $0x4000, s14  }
0x32: {  	s31 =	sshrl.u32 s15, $0x2;
	s15 =	sadd.s32 $0x0, s16  }
0x33: {  	s17 =	simm.s32 $0x4;
	s18 =	sadd.s32 $0x40, s18;
	s14 =	sor.u32 $0x4000, s31;
	[tilespmem:s15+$0x1830 ss:$0x81] =	vst.msk $0xffff, v3  }
.LBB1_3:
0x34: {  	v3 =	vld [tilespmem:s18+$0x10];
	p1 =	sne.s32 s17, $0x1FC;
	[tilespmem:s15+$0x810 ss:$0x81] =	vst.msk $0xffff, v2;
	s19 =	smov.u32 s17;
	s17 =	sadd.s32 $0x4, s17  }
.Ltmp3:
0x35: {  	v2 =	vld [tilespmem:s18+$0xFFFFFFF0];
	[tilespmem:s15+$0x1020 ss:$0x81] =	vst.msk $0xffff, v0;
	(pc) =	sbr.rel @p1 .LBB1_3-.Ltmp3, $4  }
0x36: {  	v0 =	vld [tilespmem:s18+$0x0];
	[tilespmem:s15+$0x0 ss:$0x81] =	vst.msk $0xffff, v1  }
0x37: {  	s15 =	sshra.s32 s19, $0x2;
	v1 =	vld [tilespmem:s18+$0xFFFFFFE0]  }
0x38: {  	s15 =	sadd.s32 s15, s16  }
0x39: {  	s18 =	sadd.s32 $0x40, s18;
	[tilespmem:s15+$0x1830 ss:$0x81] =	vst.msk $0xffff, v3  }
.Ltmp4:
0x3a: {  	_ = 	snop;
	(pc) =	sbr.rel .LBB1_4-.Ltmp4, $1  }
0x3b: {  	_ =	sdelay $0x3  }
.LBB1_6:
0x3c: {  	_ =	sfence.sel $0x180000  }
0x3d: {  	s2 =	simm.s32 $0x1;
	[bflag:$0x0] =	sbarrier.arrive $0xFFFF  }
0x3e: {  	s31 =	simm.s32 $0x2;
	[sflag:s2] =	ssyncpa.u1 $0x1  }
0x3f: {  	[sflag:s31] =	ssyncpa.u1 $0x1  }
0x40: {  	p0 =	sne.s32 s0, $0x0;
	_ =	strace $0x9000004A  }
0x41: {  	s0 =	sadd.s32 @!p0 $0x100000, s1;
	[bflag:$0x2] =	sbarrier.arrive $0xFFFF  }
0x42: {  	[sflag:s0] =	ssyncadd.tile.s32 @!p0 $0x1;
	_ =	shalt  }
.Lfunc_end1:
_tile_overlayer_lowered:
.L_overlay_start_2:
0x43: {  	(tag) =	ssettag $0x2  }
0x44: {  	s0 =	rddreg [dreg:$0x0];
	s2 =	stileid.u32  }
0x45: {  	s1 =	rddreg [dreg:$0x1];
	p0 =	sne.s32 s2, $0x0  }
0x46: {  	s3 =	rddreg [dreg:$0x2];
	[bflag:$0x3] =	sbarrier.arrive $0xFFFF;
	s2 =	simm.s32 @!p0 $0x1C01  }
0x47: {  	[timem:s3], [sflag:s2] =	dma.local @!p0 [hbm:s0], s1  }
0x48: {  	s0 =	simm.s32 @!p0 $0x1  }
0x49: {  	_ =	swait.ge @!p0 [sflag:s0], s1  }
0x4a: {  	s1 =	ssub.s32 @!p0 $0x0, s1;
	[sflag:s0] =	ssyncset.done @!p0 $0x0  }
0x4b: {  	[sflag:s0] =	ssyncadd.s32 @!p0 s1  }
0x4c: {  	[bflag:$0x3] =	sbarrier.arrive $0xFFFF  }
0x4d: {  	_ =	shalt  }

</sc_bundles>
